<compile_context>
chip_gen: v7x
topology: tpu7x:2x2x1
jax: 0.10.2.dev20260603
libtpu: 0.0.44.dev20260713+nightly
codegen_flags: <defaults>
</compile_context>

<pallas_src>
import jax
import jax.numpy as jnp
from jax import lax
from jax.experimental import pallas as pl
from jax.experimental.pallas import tpu as pltpu
from jax.experimental.pallas import tpu_sc as plsc

N_NODES = 10000
N_EDGES = 160000
D = 256
HALF = 128
N_PAD = 10240
NC, NS = 2, 16
NW = NC * NS
EPW = 5120
E_PAD = EPW * NW
CHUNK = 128
NCHUNK = EPW // CHUNK
ROWS_PT = N_PAD // NS

_sc_mesh = plsc.VectorSubcoreMesh(core_axis_name="c", subcore_axis_name="s")


def _deg_body(dsts_hbm, deg_hbm, dst_v, ones_v, acc_sh):
    c = lax.axis_index("c")
    s = lax.axis_index("s")

    @pl.when(c == 0)
    def _():
        def fill(k, carry):
            ones_v[k, :] = jnp.full((16,), 1.0, jnp.float32)
            return carry

        lax.fori_loop(0, CHUNK, fill, 0)
        for r in range(ROWS_PT // CHUNK):
            pltpu.sync_copy(ones_v, acc_sh.at[pl.ds(s * ROWS_PT + r * CHUNK, CHUNK)])
        pltpu.sync_copy(dsts_hbm.at[pl.ds(s * 2, 2)], dst_v)
        plsc.subcore_barrier()

        for u in range(2):
            def step(j, carry):
                pltpu.sync_copy(ones_v, acc_sh.at[dst_v.at[u, j]], add=True)
                return carry

            lax.fori_loop(0, NCHUNK, step, 0)
        plsc.subcore_barrier()
        pltpu.sync_copy(acc_sh.at[pl.ds(s * ROWS_PT, ROWS_PT)],
                        deg_hbm.at[pl.ds(s * ROWS_PT, ROWS_PT)])


_deg_kernel = pl.kernel(
    _deg_body,
    out_type=jax.ShapeDtypeStruct((N_PAD, 16), jnp.float32),
    mesh=_sc_mesh,
    scratch_types=[
        pltpu.VMEM((2, NCHUNK, CHUNK), jnp.int32),
        pltpu.VMEM((CHUNK, 16), jnp.float32),
        pltpu.VMEM_SHARED((N_PAD, 16), jnp.float32),
    ],
)


NBUF = 2


def _agg_body(h_hbm, srcs_hbm, dsts_hbm, out_hbm, src_v, dst_v, rows_v, acc_sh,
              sem_g, sem_s):
    c = lax.axis_index("c")
    s = lax.axis_index("s")
    w = s * NC + c
    off = c * N_PAD
    pltpu.sync_copy(srcs_hbm.at[w], src_v)
    pltpu.sync_copy(dsts_hbm.at[w], dst_v)

    def add_off(t, carry):
        src_v[pl.ds(t * 16, 16)] = src_v[pl.ds(t * 16, 16)] + off
        return carry

    lax.fori_loop(0, EPW // 16, add_off, 0)
    pltpu.sync_copy(h_hbm.at[pl.ds(off + s * ROWS_PT, ROWS_PT)],
                    acc_sh.at[pl.ds(s * ROWS_PT, ROWS_PT)])
    plsc.subcore_barrier()

    def group(k, carry):
        dg = []
        for b in range(NBUF):
            t = k * NBUF + b
            dg.append(pltpu.async_copy(
                h_hbm.at[src_v.at[pl.ds(t * CHUNK, CHUNK)]],
                rows_v.at[b], sem_g.at[b]))
        ds = []
        for b in range(NBUF):
            t = k * NBUF + b
            dg[b].wait()
            ds.append(pltpu.async_copy(
                rows_v.at[b], acc_sh.at[dst_v.at[t]], sem_s.at[b], add=True))
        for b in range(NBUF):
            ds[b].wait()
        return carry

    lax.fori_loop(0, NCHUNK // NBUF, group, 0)
    plsc.subcore_barrier()
    pltpu.sync_copy(acc_sh.at[pl.ds(s * ROWS_PT, ROWS_PT)],
                    out_hbm.at[pl.ds(off + s * ROWS_PT, ROWS_PT)])


_agg_kernel = pl.kernel(
    _agg_body,
    out_type=jax.ShapeDtypeStruct((2 * N_PAD, HALF), jnp.float32),
    mesh=_sc_mesh,
    scratch_types=[
        pltpu.VMEM((EPW,), jnp.int32),
        pltpu.VMEM((NCHUNK, CHUNK), jnp.int32),
        pltpu.VMEM((NBUF, CHUNK, HALF), jnp.float32),
        pltpu.VMEM_SHARED((N_PAD, HALF), jnp.float32),
        pltpu.SemaphoreType.DMA((NBUF,)),
        pltpu.SemaphoreType.DMA((NBUF,)),
    ],
)


RB = 1280
NRB = N_PAD // RB


def _mm1_body(x_ref, deg_ref, w_ref, o_ref):
    dis = lax.rsqrt(deg_ref[:, 0:1])
    o_ref[...] = jnp.dot(x_ref[...] * dis, w_ref[...],
                         preferred_element_type=jnp.float32)


_mm1 = pl.pallas_call(
    _mm1_body,
    grid=(NRB, 2),
    in_specs=[
        pl.BlockSpec((RB, D), lambda i, j: (i, 0)),
        pl.BlockSpec((RB, 16), lambda i, j: (i, 0)),
        pl.BlockSpec((D, HALF), lambda i, j: (0, j)),
    ],
    out_specs=pl.BlockSpec((RB, HALF), lambda i, j: (j * NRB + i, 0)),
    out_shape=jax.ShapeDtypeStruct((2 * N_PAD, HALF), jnp.float32),
)


def _mm2_body(agg_a_ref, agg_b_ref, deg_ref, b_ref, w_ref, o_ref):
    dis = lax.rsqrt(deg_ref[:, 0:1])
    o = jnp.concatenate([agg_a_ref[...], agg_b_ref[...]], axis=1) * dis + b_ref[...]
    h = jnp.maximum(o, 0.0) * dis
    o_ref[...] = jnp.dot(h, w_ref[...], preferred_element_type=jnp.float32)


_mm2 = pl.pallas_call(
    _mm2_body,
    grid=(NRB, 2),
    in_specs=[
        pl.BlockSpec((RB, HALF), lambda i, j: (i, 0)),
        pl.BlockSpec((RB, HALF), lambda i, j: (i + NRB, 0)),
        pl.BlockSpec((RB, 16), lambda i, j: (i, 0)),
        pl.BlockSpec((1, D), lambda i, j: (0, 0)),
        pl.BlockSpec((D, HALF), lambda i, j: (0, j)),
    ],
    out_specs=pl.BlockSpec((RB, HALF), lambda i, j: (j * NRB + i, 0)),
    out_shape=jax.ShapeDtypeStruct((2 * N_PAD, HALF), jnp.float32),
)


def _fin_body(agg_a_ref, agg_b_ref, deg_ref, b_ref, o_ref):
    dis = lax.rsqrt(deg_ref[:, 0:1])
    o = jnp.concatenate([agg_a_ref[...], agg_b_ref[...]], axis=1) * dis + b_ref[...]
    m = jnp.max(o, axis=1, keepdims=True)
    e = jnp.exp(o - m)
    o_ref[...] = e / jnp.sum(e, axis=1, keepdims=True)


_fin = pl.pallas_call(
    _fin_body,
    grid=(NRB,),
    in_specs=[
        pl.BlockSpec((RB, HALF), lambda i: (i, 0)),
        pl.BlockSpec((RB, HALF), lambda i: (i + NRB, 0)),
        pl.BlockSpec((RB, 16), lambda i: (i, 0)),
        pl.BlockSpec((1, D), lambda i: (0, 0)),
    ],
    out_specs=pl.BlockSpec((RB, D), lambda i: (i, 0)),
    out_shape=jax.ShapeDtypeStruct((N_PAD, D), jnp.float32),
)


def kernel(feature, edge_index, W0, b0, W1, b1):
    x = jnp.pad(feature.astype(jnp.float32), ((0, N_PAD - N_NODES), (0, 0)))
    src = edge_index[0].astype(jnp.int32)
    dst = edge_index[1].astype(jnp.int32)
    pad_e = E_PAD - N_EDGES
    fill = jnp.full((pad_e,), N_NODES, jnp.int32)
    src_p = jnp.concatenate([src, fill]).reshape(NW, EPW)
    dst_p = jnp.concatenate([dst, fill]).reshape(NW, NCHUNK, CHUNK)

    deg = _deg_kernel(dst_p)
    h1 = _mm1(x, deg, W0)
    agg1 = _agg_kernel(h1, src_p, dst_p)
    h2 = _mm2(agg1, agg1, deg, b0.reshape(1, D), W1)
    agg2 = _agg_kernel(h2, src_p, dst_p)
    out = _fin(agg2, agg2, deg, b1.reshape(1, D))
    return out[:N_NODES]

# --- scband reference (transcript-rebuilt; emitter-appended) ---
"""Pipeline reference for scband-gcn-34900904248094 (READ-ONLY COPY).

The authoritative reference and input builder live on the scoring server;
editing this copy changes nothing except your own understanding.
"""

import jax, jax.numpy as jnp
import numpy as np

N_NODES = 10000
N_EDGES = 160000
D_IN = 256
D_HID = 256
D_OUT = 256


def _xavier(key, fan_in, fan_out):
    limit = float(np.sqrt(6.0 / (fan_in + fan_out)))
    return jax.random.uniform(key, (fan_in, fan_out), minval=-limit, maxval=limit, dtype=jnp.float32)


def gcn_conv(x, edge_index, W, b):
    # PyG-style GCNConv: x' = D^{-1/2} (A + I) D^{-1/2} X W + b
    n = x.shape[0]
    x = x @ W
    loop = jnp.arange(n, dtype=edge_index.dtype)
    src = jnp.concatenate([edge_index[0], loop])
    dst = jnp.concatenate([edge_index[1], loop])
    ones = jnp.ones(src.shape[0], dtype=x.dtype)
    deg = jax.ops.segment_sum(ones, dst, num_segments=n)
    dis = jnp.where(deg > 0, jax.lax.rsqrt(jnp.maximum(deg, 1e-12)), 0.0)
    norm = dis[src] * dis[dst]
    msg = x[src] * norm[:, None]
    out = jax.ops.segment_sum(msg, dst, num_segments=n)
    return out + b


def setup_inputs(seed: int = 0) -> dict:
    key = jax.random.key(seed)
    k1, k2, k3, k4 = jax.random.split(key, 4)
    feature = jax.random.normal(k1, (N_NODES, D_IN), dtype=jnp.float32)
    edge_index = jax.random.randint(k2, (2, N_EDGES), 0, N_NODES, dtype=jnp.int32)
    W0 = _xavier(k3, D_IN, D_HID)
    b0 = jnp.zeros((D_HID,), dtype=jnp.float32)
    W1 = _xavier(k4, D_HID, D_OUT)
    b1 = jnp.zeros((D_OUT,), dtype=jnp.float32)
    return {"feature": feature, "edge_index": edge_index, "W0": W0, "b0": b0, "W1": W1, "b1": b1}


def reference(feature, edge_index, W0, b0, W1, b1):
    h = gcn_conv(feature, edge_index, W0, b0)
    h = jax.nn.relu(h)
    # dropout is identity in eval mode (training=False)
    h = gcn_conv(h, edge_index, W1, b1)
    return jax.nn.softmax(h, axis=1)

if __name__ == "__main__":
    import jax
    _d = setup_inputs()
    print(jax.jit(kernel)(*tuple(_d.values())))

</pallas_src>

<mosaic_0001>
#map = affine_map<(d0, d1) -> (0, 0)>
#map1 = affine_map<(d0, d1) -> (0, 0, 0)>
module attributes {stable_mosaic.version = 14 : i64} {
  func.func @_agg_body(%arg0: i32, %arg1: i32, %arg2: memref<20480x128xf32, #tpu.memory_space<hbm>>, %arg3: memref<32x5120xi32, #tpu.memory_space<hbm>>, %arg4: memref<32x40x128xi32, #tpu.memory_space<hbm>>, %arg5: memref<20480x128xf32, #tpu.memory_space<hbm>>, %arg6: memref<5120xi32, #tpu.memory_space<vmem>>, %arg7: memref<40x128xi32, #tpu.memory_space<vmem>>, %arg8: memref<2x128x128xf32, #tpu.memory_space<vmem>>, %arg9: memref<10240x128xf32, #tpu.memory_space<vmem_shared>>, %arg10: memref<2x!tpu.dma_semaphore, #tpu.memory_space<semaphore_mem>>, %arg11: memref<2x!tpu.dma_semaphore, #tpu.memory_space<semaphore_mem>>) attributes {dimension_semantics = [#tpu.dimension_semantics<core_parallel>, #tpu.dimension_semantics<subcore_parallel>], iteration_bounds = array<i64: 2, 16>, scalar_prefetch = 0 : i64, scratch_operands = 6 : i64, tpu.core_type = #tpu.core_type<sc_vector_subcore>, window_params = [{transform_indices = #map}, {transform_indices = #map}, {transform_indices = #map1}, {transform_indices = #map}]} {
    %mul3A = arith.constant 2 : i32
    %mul3A_0 = arith.muli %arg1, %mul3A : i32
    %add3A = arith.addi %mul3A_0, %arg0 : i32
    %mul3A_1 = arith.constant 10240 : i32
    %mul3A_2 = arith.muli %arg0, %mul3A_1 : i32
    "tpu.region"() ({
      %run_scoped3A = tpu.sem_alloc : memref<!tpu.dma_semaphore, #tpu.memory_space<semaphore_mem>>
      %dma_start3A = arith.constant 0 : i32
      %dma_start3A_25 = tpu.memref_slice %arg3[%add3A, %dma_start3A] : memref<32x5120xi32, #tpu.memory_space<hbm>> -> memref<1x5120xi32, #tpu.memory_space<hbm>>
      %dma_start3A_26 = tpu.memref_squeeze %dma_start3A_25 : memref<1x5120xi32, #tpu.memory_space<hbm>> -> memref<5120xi32, #tpu.memory_space<hbm>>
      %dma_start3A_27 = arith.constant 0 : i32
      %dma_start3A_28 = tpu.memref_slice %arg3[%add3A, %dma_start3A_27] : memref<32x5120xi32, #tpu.memory_space<hbm>> -> memref<1x5120xi32, #tpu.memory_space<hbm>>
      %dma_start3A_29 = tpu.memref_squeeze %dma_start3A_28 : memref<1x5120xi32, #tpu.memory_space<hbm>> -> memref<5120xi32, #tpu.memory_space<hbm>>
      tpu.enqueue_dma source(%dma_start3A_29 : memref<5120xi32, #tpu.memory_space<hbm>>) target(%arg6 : memref<5120xi32, #tpu.memory_space<vmem>>) target_semaphore(%run_scoped3A : memref<!tpu.dma_semaphore, #tpu.memory_space<semaphore_mem>>)
      %dma_wait3A = arith.constant 0 : i32
      %dma_wait3A_30 = tpu.memref_slice %arg3[%add3A, %dma_wait3A] : memref<32x5120xi32, #tpu.memory_space<hbm>> -> memref<1x5120xi32, #tpu.memory_space<hbm>>
      %dma_wait3A_31 = tpu.memref_squeeze %dma_wait3A_30 : memref<1x5120xi32, #tpu.memory_space<hbm>> -> memref<5120xi32, #tpu.memory_space<hbm>>
      %dma_wait3A_32 = arith.constant 0 : i32
      %dma_wait3A_33 = tpu.memref_slice %arg3[%add3A, %dma_wait3A_32] : memref<32x5120xi32, #tpu.memory_space<hbm>> -> memref<1x5120xi32, #tpu.memory_space<hbm>>
      %dma_wait3A_34 = tpu.memref_squeeze %dma_wait3A_33 : memref<1x5120xi32, #tpu.memory_space<hbm>> -> memref<5120xi32, #tpu.memory_space<hbm>>
      tpu.wait_dma2 semaphore(%run_scoped3A : memref<!tpu.dma_semaphore, #tpu.memory_space<semaphore_mem>>) src(%dma_wait3A_34 : memref<5120xi32, #tpu.memory_space<hbm>>) dst(%arg6 : memref<5120xi32, #tpu.memory_space<vmem>>)
      tpu.yield
    }) : () -> ()
    "tpu.region"() ({
      %run_scoped3A = tpu.sem_alloc : memref<!tpu.dma_semaphore, #tpu.memory_space<semaphore_mem>>
      %dma_start3A = arith.constant 0 : i32
      %dma_start3A_25 = arith.constant 0 : i32
      %dma_start3A_26 = tpu.memref_slice %arg4[%add3A, %dma_start3A, %dma_start3A_25] : memref<32x40x128xi32, #tpu.memory_space<hbm>> -> memref<1x40x128xi32, #tpu.memory_space<hbm>>
      %dma_start3A_27 = tpu.memref_squeeze %dma_start3A_26 : memref<1x40x128xi32, #tpu.memory_space<hbm>> -> memref<40x128xi32, #tpu.memory_space<hbm>>
      %dma_start3A_28 = arith.constant 0 : i32
      %dma_start3A_29 = arith.constant 0 : i32
      %dma_start3A_30 = tpu.memref_slice %arg4[%add3A, %dma_start3A_28, %dma_start3A_29] : memref<32x40x128xi32, #tpu.memory_space<hbm>> -> memref<1x40x128xi32, #tpu.memory_space<hbm>>
      %dma_start3A_31 = tpu.memref_squeeze %dma_start3A_30 : memref<1x40x128xi32, #tpu.memory_space<hbm>> -> memref<40x128xi32, #tpu.memory_space<hbm>>
      tpu.enqueue_dma source(%dma_start3A_31 : memref<40x128xi32, #tpu.memory_space<hbm>>) target(%arg7 : memref<40x128xi32, #tpu.memory_space<vmem>>) target_semaphore(%run_scoped3A : memref<!tpu.dma_semaphore, #tpu.memory_space<semaphore_mem>>)
      %dma_wait3A = arith.constant 0 : i32
      %dma_wait3A_32 = arith.constant 0 : i32
      %dma_wait3A_33 = tpu.memref_slice %arg4[%add3A, %dma_wait3A, %dma_wait3A_32] : memref<32x40x128xi32, #tpu.memory_space<hbm>> -> memref<1x40x128xi32, #tpu.memory_space<hbm>>
      %dma_wait3A_34 = tpu.memref_squeeze %dma_wait3A_33 : memref<1x40x128xi32, #tpu.memory_space<hbm>> -> memref<40x128xi32, #tpu.memory_space<hbm>>
      %dma_wait3A_35 = arith.constant 0 : i32
      %dma_wait3A_36 = arith.constant 0 : i32
      %dma_wait3A_37 = tpu.memref_slice %arg4[%add3A, %dma_wait3A_35, %dma_wait3A_36] : memref<32x40x128xi32, #tpu.memory_space<hbm>> -> memref<1x40x128xi32, #tpu.memory_space<hbm>>
      %dma_wait3A_38 = tpu.memref_squeeze %dma_wait3A_37 : memref<1x40x128xi32, #tpu.memory_space<hbm>> -> memref<40x128xi32, #tpu.memory_space<hbm>>
      tpu.wait_dma2 semaphore(%run_scoped3A : memref<!tpu.dma_semaphore, #tpu.memory_space<semaphore_mem>>) src(%dma_wait3A_38 : memref<40x128xi32, #tpu.memory_space<hbm>>) dst(%arg7 : memref<40x128xi32, #tpu.memory_space<vmem>>)
      tpu.yield
    }) : () -> ()
    %scan3A = arith.constant 0 : i32
    %scan3A_3 = arith.constant 0 : i32
    %scan3A_4 = arith.constant 320 : i32
    %scan3A_5 = arith.addi %scan3A_3, %scan3A_4 : i32
    %scan3A_6 = arith.constant 1 : i32
    scf.for %scan3A_25 = %scan3A_3 to %scan3A_5 step %scan3A_6  : i32 {
      %mul3A_26 = arith.constant 16 : i32
      %mul3A_27 = arith.muli %scan3A_25, %mul3A_26 : i32
      %get3A = arith.index_cast %mul3A_27 : i32 to index
      %get3A_28 = tpu.vector_load %arg6[%get3A] {strides = array<i32>} : memref<5120xi32, #tpu.memory_space<vmem>>, vector<16xi32>,
      %get3A_29 = vector.shape_cast %get3A_28 : vector<16xi32> to vector<16xi32>
      %add3A_30 = vector.broadcast %mul3A_2 : i32 to vector<16xi32>
      %add3A_31 = arith.addi %get3A_29, %add3A_30 : vector<16xi32>
      %mul3A_32 = arith.constant 16 : i32
      %mul3A_33 = arith.muli %scan3A_25, %mul3A_32 : i32
      %swap3A = arith.index_cast %mul3A_33 : i32 to index
      %swap3A_34 = tpu.vector_load %arg6[%swap3A] {strides = array<i32>} : memref<5120xi32, #tpu.memory_space<vmem>>, vector<16xi32>,
      %swap3A_35 = vector.shape_cast %swap3A_34 : vector<16xi32> to vector<16xi32>
      %swap3A_36 = vector.shape_cast %add3A_31 : vector<16xi32> to vector<16xi32>
      tpu.vector_store %arg6[%swap3A], %swap3A_36 {strides = array<i32>} : memref<5120xi32, #tpu.memory_space<vmem>>, vector<16xi32>,
    }
    %scan3A_7 = arith.constant 320 : i32
    %mul3A_8 = arith.constant 640 : i32
    %mul3A_9 = arith.muli %arg1, %mul3A_8 : i32
    %add3A_10 = arith.addi %mul3A_2, %mul3A_9 : i32
    %mul3A_11 = arith.constant 640 : i32
    %mul3A_12 = arith.muli %arg1, %mul3A_11 : i32
    "tpu.region"() ({
      %run_scoped3A = tpu.sem_alloc : memref<!tpu.dma_semaphore, #tpu.memory_space<semaphore_mem>>
      %dma_start3A = arith.constant 0 : i32
      %dma_start3A_25 = tpu.memref_slice %arg9[%mul3A_12, %dma_start3A] : memref<10240x128xf32, #tpu.memory_space<vmem_shared>> -> memref<640x128xf32, #tpu.memory_space<vmem_shared>>
      %dma_start3A_26 = arith.constant 0 : i32
      %dma_start3A_27 = tpu.memref_slice %arg2[%add3A_10, %dma_start3A_26] : memref<20480x128xf32, #tpu.memory_space<hbm>> -> memref<640x128xf32, #tpu.memory_space<hbm>>
      tpu.enqueue_dma source(%dma_start3A_27 : memref<640x128xf32, #tpu.memory_space<hbm>>) target(%dma_start3A_25 : memref<640x128xf32, #tpu.memory_space<vmem_shared>>) target_semaphore(%run_scoped3A : memref<!tpu.dma_semaphore, #tpu.memory_space<semaphore_mem>>)
      %dma_wait3A = arith.constant 0 : i32
      %dma_wait3A_28 = tpu.memref_slice %arg9[%mul3A_12, %dma_wait3A] : memref<10240x128xf32, #tpu.memory_space<vmem_shared>> -> memref<640x128xf32, #tpu.memory_space<vmem_shared>>
      %dma_wait3A_29 = arith.constant 0 : i32
      %dma_wait3A_30 = tpu.memref_slice %arg2[%add3A_10, %dma_wait3A_29] : memref<20480x128xf32, #tpu.memory_space<hbm>> -> memref<640x128xf32, #tpu.memory_space<hbm>>
      tpu.wait_dma2 semaphore(%run_scoped3A : memref<!tpu.dma_semaphore, #tpu.memory_space<semaphore_mem>>) src(%dma_wait3A_30 : memref<640x128xf32, #tpu.memory_space<hbm>>) dst(%dma_wait3A_28 : memref<640x128xf32, #tpu.memory_space<vmem_shared>>)
      tpu.yield
    }) : () -> ()
    %barrier3A = arith.constant 0 : index
    tpu.barrier barrier_id(%barrier3A)
    %scan3A_13 = arith.constant 0 : i32
    %scan3A_14 = arith.constant 0 : i32
    %scan3A_15 = arith.constant 20 : i32
    %scan3A_16 = arith.addi %scan3A_14, %scan3A_15 : i32
    %scan3A_17 = arith.constant 1 : i32
    scf.for %scan3A_25 = %scan3A_14 to %scan3A_16 step %scan3A_17  : i32 {
      %mul3A_26 = arith.constant 2 : i32
      %mul3A_27 = arith.muli %scan3A_25, %mul3A_26 : i32
      %add3A_28 = arith.constant 0 : i32
      %add3A_29 = arith.addi %mul3A_27, %add3A_28 : i32
      %mul3A_30 = arith.constant 128 : i32
      %mul3A_31 = arith.muli %add3A_29, %mul3A_30 : i32
      %dma_start3A = arith.constant 0 : i32
      %dma_start3A_32 = arith.constant 0 : i32
      %dma_start3A_33 = arith.constant 0 : i32
      %dma_start3A_34 = arith.constant 0 : i32
      %dma_start3A_35 = tpu.memref_slice %arg8[%dma_start3A, %dma_start3A_33, %dma_start3A_34] : memref<2x128x128xf32, #tpu.memory_space<vmem>> -> memref<1x128x128xf32, #tpu.memory_space<vmem>>
      %dma_start3A_36 = tpu.memref_squeeze %dma_start3A_35 : memref<1x128x128xf32, #tpu.memory_space<vmem>> -> memref<128x128xf32, #tpu.memory_space<vmem>>
      %dma_start3A_37 = tpu.memref_slice %arg6[%mul3A_31] : memref<5120xi32, #tpu.memory_space<vmem>> -> memref<128xi32, #tpu.memory_space<vmem>>
      %dma_start3A_38 = arith.constant 0 : i32
      %dma_start3A_39 = arith.constant 0 : i32
      %dma_start3A_40 = tpu.memref_slice %arg2[%dma_start3A_38, %dma_start3A_39] : memref<20480x128xf32, #tpu.memory_space<hbm>> -> memref<20480x128xf32, #tpu.memory_space<hbm>>
      %dma_start3A_41 = tpu.memref_slice %arg10[%dma_start3A_32] : memref<2x!tpu.dma_semaphore, #tpu.memory_space<semaphore_mem>> -> memref<1x!tpu.dma_semaphore, #tpu.memory_space<semaphore_mem>>
      %dma_start3A_42 = tpu.memref_squeeze %dma_start3A_41 : memref<1x!tpu.dma_semaphore, #tpu.memory_space<semaphore_mem>> -> memref<!tpu.dma_semaphore, #tpu.memory_space<semaphore_mem>>
      tpu.enqueue_indirect_dma source(%dma_start3A_40 : memref<20480x128xf32, #tpu.memory_space<hbm>>) target(%dma_start3A_36 : memref<128x128xf32, #tpu.memory_space<vmem>>) offsets(%dma_start3A_37 : memref<128xi32, #tpu.memory_space<vmem>>) semaphore(%dma_start3A_42 : memref<!tpu.dma_semaphore, #tpu.memory_space<semaphore_mem>>)
      %mul3A_43 = arith.constant 2 : i32
      %mul3A_44 = arith.muli %scan3A_25, %mul3A_43 : i32
      %add3A_45 = arith.constant 1 : i32
      %add3A_46 = arith.addi %mul3A_44, %add3A_45 : i32
      %mul3A_47 = arith.constant 128 : i32
      %mul3A_48 = arith.muli %add3A_46, %mul3A_47 : i32
      %dma_start3A_49 = arith.constant 1 : i32
      %dma_start3A_50 = arith.constant 1 : i32
      %dma_start3A_51 = arith.constant 0 : i32
      %dma_start3A_52 = arith.constant 0 : i32
      %dma_start3A_53 = tpu.memref_slice %arg8[%dma_start3A_49, %dma_start3A_51, %dma_start3A_52] : memref<2x128x128xf32, #tpu.memory_space<vmem>> -> memref<1x128x128xf32, #tpu.memory_space<vmem>>
      %dma_start3A_54 = tpu.memref_squeeze %dma_start3A_53 : memref<1x128x128xf32, #tpu.memory_space<vmem>> -> memref<128x128xf32, #tpu.memory_space<vmem>>
      %dma_start3A_55 = tpu.memref_slice %arg6[%mul3A_48] : memref<5120xi32, #tpu.memory_space<vmem>> -> memref<128xi32, #tpu.memory_space<vmem>>
      %dma_start3A_56 = arith.constant 0 : i32
      %dma_start3A_57 = arith.constant 0 : i32
      %dma_start3A_58 = tpu.memref_slice %arg2[%dma_start3A_56, %dma_start3A_57] : memref<20480x128xf32, #tpu.memory_space<hbm>> -> memref<20480x128xf32, #tpu.memory_space<hbm>>
      %dma_start3A_59 = tpu.memref_slice %arg10[%dma_start3A_50] : memref<2x!tpu.dma_semaphore, #tpu.memory_space<semaphore_mem>> -> memref<1x!tpu.dma_semaphore, #tpu.memory_space<semaphore_mem>>
      %dma_start3A_60 = tpu.memref_squeeze %dma_start3A_59 : memref<1x!tpu.dma_semaphore, #tpu.memory_space<semaphore_mem>> -> memref<!tpu.dma_semaphore, #tpu.memory_space<semaphore_mem>>
      tpu.enqueue_indirect_dma source(%dma_start3A_58 : memref<20480x128xf32, #tpu.memory_space<hbm>>) target(%dma_start3A_54 : memref<128x128xf32, #tpu.memory_space<vmem>>) offsets(%dma_start3A_55 : memref<128xi32, #tpu.memory_space<vmem>>) semaphore(%dma_start3A_60 : memref<!tpu.dma_semaphore, #tpu.memory_space<semaphore_mem>>)
      %mul3A_61 = arith.constant 2 : i32
      %mul3A_62 = arith.muli %scan3A_25, %mul3A_61 : i32
      %add3A_63 = arith.constant 0 : i32
      %add3A_64 = arith.addi %mul3A_62, %add3A_63 : i32
      %dma_wait3A = arith.constant 0 : i32
      %dma_wait3A_65 = arith.constant 0 : i32
      %dma_wait3A_66 = arith.constant 0 : i32
      %dma_wait3A_67 = arith.constant 0 : i32
      %dma_wait3A_68 = tpu.memref_slice %arg8[%dma_wait3A, %dma_wait3A_66, %dma_wait3A_67] : memref<2x128x128xf32, #tpu.memory_space<vmem>> -> memref<1x128x128xf32, #tpu.memory_space<vmem>>
      %dma_wait3A_69 = tpu.memref_squeeze %dma_wait3A_68 : memref<1x128x128xf32, #tpu.memory_space<vmem>> -> memref<128x128xf32, #tpu.memory_space<vmem>>
      %dma_wait3A_70 = tpu.memref_slice %arg6[%mul3A_31] : memref<5120xi32, #tpu.memory_space<vmem>> -> memref<128xi32, #tpu.memory_space<vmem>>
      %dma_wait3A_71 = arith.constant 0 : i32
      %dma_wait3A_72 = arith.constant 0 : i32
      %dma_wait3A_73 = tpu.memref_slice %arg2[%dma_wait3A_71, %dma_wait3A_72] : memref<20480x128xf32, #tpu.memory_space<hbm>> -> memref<20480x128xf32, #tpu.memory_space<hbm>>
      %dma_wait3A_74 = tpu.memref_slice %arg10[%dma_wait3A_65] : memref<2x!tpu.dma_semaphore, #tpu.memory_space<semaphore_mem>> -> memref<1x!tpu.dma_semaphore, #tpu.memory_space<semaphore_mem>>
      %dma_wait3A_75 = tpu.memref_squeeze %dma_wait3A_74 : memref<1x!tpu.dma_semaphore, #tpu.memory_space<semaphore_mem>> -> memref<!tpu.dma_semaphore, #tpu.memory_space<semaphore_mem>>
      tpu.wait_indirect_dma semaphore(%dma_wait3A_75 : memref<!tpu.dma_semaphore, #tpu.memory_space<semaphore_mem>>) src(%dma_wait3A_73 : memref<20480x128xf32, #tpu.memory_space<hbm>>) dst(%dma_wait3A_69 : memref<128x128xf32, #tpu.memory_space<vmem>>)
      %dma_start3A_76 = arith.constant 0 : i32
      %dma_start3A_77 = arith.constant 0 : i32
      %dma_start3A_78 = arith.constant 0 : i32
      %dma_start3A_79 = arith.constant 0 : i32
      %dma_start3A_80 = tpu.memref_slice %arg8[%dma_start3A_76, %dma_start3A_78, %dma_start3A_79] : memref<2x128x128xf32, #tpu.memory_space<vmem>> -> memref<1x128x128xf32, #tpu.memory_space<vmem>>
      %dma_start3A_81 = tpu.memref_squeeze %dma_start3A_80 : memref<1x128x128xf32, #tpu.memory_space<vmem>> -> memref<128x128xf32, #tpu.memory_space<vmem>>
      %dma_start3A_82 = arith.constant 0 : i32
      %dma_start3A_83 = tpu.memref_slice %arg7[%add3A_64, %dma_start3A_82] : memref<40x128xi32, #tpu.memory_space<vmem>> -> memref<1x128xi32, #tpu.memory_space<vmem>>
      %dma_start3A_84 = tpu.memref_squeeze %dma_start3A_83 : memref<1x128xi32, #tpu.memory_space<vmem>> -> memref<128xi32, #tpu.memory_space<vmem>>
      %dma_start3A_85 = arith.constant 0 : i32
      %dma_start3A_86 = arith.constant 0 : i32
      %dma_start3A_87 = tpu.memref_slice %arg9[%dma_start3A_85, %dma_start3A_86] : memref<10240x128xf32, #tpu.memory_space<vmem_shared>> -> memref<10240x128xf32, #tpu.memory_space<vmem_shared>>
      %dma_start3A_88 = tpu.memref_slice %arg11[%dma_start3A_77] : memref<2x!tpu.dma_semaphore, #tpu.memory_space<semaphore_mem>> -> memref<1x!tpu.dma_semaphore, #tpu.memory_space<semaphore_mem>>
      %dma_start3A_89 = tpu.memref_squeeze %dma_start3A_88 : memref<1x!tpu.dma_semaphore, #tpu.memory_space<semaphore_mem>> -> memref<!tpu.dma_semaphore, #tpu.memory_space<semaphore_mem>>
      tpu.enqueue_indirect_dma source(%dma_start3A_81 : memref<128x128xf32, #tpu.memory_space<vmem>>) target(%dma_start3A_87 : memref<10240x128xf32, #tpu.memory_space<vmem_shared>>) offsets(%dma_start3A_84 : memref<128xi32, #tpu.memory_space<vmem>>) semaphore(%dma_start3A_89 : memref<!tpu.dma_semaphore, #tpu.memory_space<semaphore_mem>>) {add = true}
      %mul3A_90 = arith.constant 2 : i32
      %mul3A_91 = arith.muli %scan3A_25, %mul3A_90 : i32
      %add3A_92 = arith.constant 1 : i32
      %add3A_93 = arith.addi %mul3A_91, %add3A_92 : i32
      %dma_wait3A_94 = arith.constant 1 : i32
      %dma_wait3A_95 = arith.constant 1 : i32
      %dma_wait3A_96 = arith.constant 0 : i32
      %dma_wait3A_97 = arith.constant 0 : i32
      %dma_wait3A_98 = tpu.memref_slice %arg8[%dma_wait3A_94, %dma_wait3A_96, %dma_wait3A_97] : memref<2x128x128xf32, #tpu.memory_space<vmem>> -> memref<1x128x128xf32, #tpu.memory_space<vmem>>
      %dma_wait3A_99 = tpu.memref_squeeze %dma_wait3A_98 : memref<1x128x128xf32, #tpu.memory_space<vmem>> -> memref<128x128xf32, #tpu.memory_space<vmem>>
      %dma_wait3A_100 = tpu.memref_slice %arg6[%mul3A_48] : memref<5120xi32, #tpu.memory_space<vmem>> -> memref<128xi32, #tpu.memory_space<vmem>>
      %dma_wait3A_101 = arith.constant 0 : i32
      %dma_wait3A_102 = arith.constant 0 : i32
      %dma_wait3A_103 = tpu.memref_slice %arg2[%dma_wait3A_101, %dma_wait3A_102] : memref<20480x128xf32, #tpu.memory_space<hbm>> -> memref<20480x128xf32, #tpu.memory_space<hbm>>
      %dma_wait3A_104 = tpu.memref_slice %arg10[%dma_wait3A_95] : memref<2x!tpu.dma_semaphore, #tpu.memory_space<semaphore_mem>> -> memref<1x!tpu.dma_semaphore, #tpu.memory_space<semaphore_mem>>
      %dma_wait3A_105 = tpu.memref_squeeze %dma_wait3A_104 : memref<1x!tpu.dma_semaphore, #tpu.memory_space<semaphore_mem>> -> memref<!tpu.dma_semaphore, #tpu.memory_space<semaphore_mem>>
      tpu.wait_indirect_dma semaphore(%dma_wait3A_105 : memref<!tpu.dma_semaphore, #tpu.memory_space<semaphore_mem>>) src(%dma_wait3A_103 : memref<20480x128xf32, #tpu.memory_space<hbm>>) dst(%dma_wait3A_99 : memref<128x128xf32, #tpu.memory_space<vmem>>)
      %dma_start3A_106 = arith.constant 1 : i32
      %dma_start3A_107 = arith.constant 1 : i32
      %dma_start3A_108 = arith.constant 0 : i32
      %dma_start3A_109 = arith.constant 0 : i32
      %dma_start3A_110 = tpu.memref_slice %arg8[%dma_start3A_106, %dma_start3A_108, %dma_start3A_109] : memref<2x128x128xf32, #tpu.memory_space<vmem>> -> memref<1x128x128xf32, #tpu.memory_space<vmem>>
      %dma_start3A_111 = tpu.memref_squeeze %dma_start3A_110 : memref<1x128x128xf32, #tpu.memory_space<vmem>> -> memref<128x128xf32, #tpu.memory_space<vmem>>
      %dma_start3A_112 = arith.constant 0 : i32
      %dma_start3A_113 = tpu.memref_slice %arg7[%add3A_93, %dma_start3A_112] : memref<40x128xi32, #tpu.memory_space<vmem>> -> memref<1x128xi32, #tpu.memory_space<vmem>>
      %dma_start3A_114 = tpu.memref_squeeze %dma_start3A_113 : memref<1x128xi32, #tpu.memory_space<vmem>> -> memref<128xi32, #tpu.memory_space<vmem>>
      %dma_start3A_115 = arith.constant 0 : i32
      %dma_start3A_116 = arith.constant 0 : i32
      %dma_start3A_117 = tpu.memref_slice %arg9[%dma_start3A_115, %dma_start3A_116] : memref<10240x128xf32, #tpu.memory_space<vmem_shared>> -> memref<10240x128xf32, #tpu.memory_space<vmem_shared>>
      %dma_start3A_118 = tpu.memref_slice %arg11[%dma_start3A_107] : memref<2x!tpu.dma_semaphore, #tpu.memory_space<semaphore_mem>> -> memref<1x!tpu.dma_semaphore, #tpu.memory_space<semaphore_mem>>
      %dma_start3A_119 = tpu.memref_squeeze %dma_start3A_118 : memref<1x!tpu.dma_semaphore, #tpu.memory_space<semaphore_mem>> -> memref<!tpu.dma_semaphore, #tpu.memory_space<semaphore_mem>>
      tpu.enqueue_indirect_dma source(%dma_start3A_111 : memref<128x128xf32, #tpu.memory_space<vmem>>) target(%dma_start3A_117 : memref<10240x128xf32, #tpu.memory_space<vmem_shared>>) offsets(%dma_start3A_114 : memref<128xi32, #tpu.memory_space<vmem>>) semaphore(%dma_start3A_119 : memref<!tpu.dma_semaphore, #tpu.memory_space<semaphore_mem>>) {add = true}
      %dma_wait3A_120 = arith.constant 0 : i32
      %dma_wait3A_121 = arith.constant 0 : i32
      %dma_wait3A_122 = arith.constant 0 : i32
      %dma_wait3A_123 = arith.constant 0 : i32
      %dma_wait3A_124 = tpu.memref_slice %arg8[%dma_wait3A_120, %dma_wait3A_122, %dma_wait3A_123] : memref<2x128x128xf32, #tpu.memory_space<vmem>> -> memref<1x128x128xf32, #tpu.memory_space<vmem>>
      %dma_wait3A_125 = tpu.memref_squeeze %dma_wait3A_124 : memref<1x128x128xf32, #tpu.memory_space<vmem>> -> memref<128x128xf32, #tpu.memory_space<vmem>>
      %dma_wait3A_126 = arith.constant 0 : i32
      %dma_wait3A_127 = tpu.memref_slice %arg7[%add3A_64, %dma_wait3A_126] : memref<40x128xi32, #tpu.memory_space<vmem>> -> memref<1x128xi32, #tpu.memory_space<vmem>>
      %dma_wait3A_128 = tpu.memref_squeeze %dma_wait3A_127 : memref<1x128xi32, #tpu.memory_space<vmem>> -> memref<128xi32, #tpu.memory_space<vmem>>
      %dma_wait3A_129 = arith.constant 0 : i32
      %dma_wait3A_130 = arith.constant 0 : i32
      %dma_wait3A_131 = tpu.memref_slice %arg9[%dma_wait3A_129, %dma_wait3A_130] : memref<10240x128xf32, #tpu.memory_space<vmem_shared>> -> memref<10240x128xf32, #tpu.memory_space<vmem_shared>>
      %dma_wait3A_132 = tpu.memref_slice %arg11[%dma_wait3A_121] : memref<2x!tpu.dma_semaphore, #tpu.memory_space<semaphore_mem>> -> memref<1x!tpu.dma_semaphore, #tpu.memory_space<semaphore_mem>>
      %dma_wait3A_133 = tpu.memref_squeeze %dma_wait3A_132 : memref<1x!tpu.dma_semaphore, #tpu.memory_space<semaphore_mem>> -> memref<!tpu.dma_semaphore, #tpu.memory_space<semaphore_mem>>
      tpu.wait_indirect_dma semaphore(%dma_wait3A_133 : memref<!tpu.dma_semaphore, #tpu.memory_space<semaphore_mem>>) src(%dma_wait3A_125 : memref<128x128xf32, #tpu.memory_space<vmem>>) dst(%dma_wait3A_131 : memref<10240x128xf32, #tpu.memory_space<vmem_shared>>)
      %dma_wait3A_134 = arith.constant 1 : i32
      %dma_wait3A_135 = arith.constant 1 : i32
      %dma_wait3A_136 = arith.constant 0 : i32
      %dma_wait3A_137 = arith.constant 0 : i32
      %dma_wait3A_138 = tpu.memref_slice %arg8[%dma_wait3A_134, %dma_wait3A_136, %dma_wait3A_137] : memref<2x128x128xf32, #tpu.memory_space<vmem>> -> memref<1x128x128xf32, #tpu.memory_space<vmem>>
      %dma_wait3A_139 = tpu.memref_squeeze %dma_wait3A_138 : memref<1x128x128xf32, #tpu.memory_space<vmem>> -> memref<128x128xf32, #tpu.memory_space<vmem>>
      %dma_wait3A_140 = arith.constant 0 : i32
      %dma_wait3A_141 = tpu.memref_slice %arg7[%add3A_93, %dma_wait3A_140] : memref<40x128xi32, #tpu.memory_space<vmem>> -> memref<1x128xi32, #tpu.memory_space<vmem>>
      %dma_wait3A_142 = tpu.memref_squeeze %dma_wait3A_141 : memref<1x128xi32, #tpu.memory_space<vmem>> -> memref<128xi32, #tpu.memory_space<vmem>>
      %dma_wait3A_143 = arith.constant 0 : i32
      %dma_wait3A_144 = arith.constant 0 : i32
      %dma_wait3A_145 = tpu.memref_slice %arg9[%dma_wait3A_143, %dma_wait3A_144] : memref<10240x128xf32, #tpu.memory_space<vmem_shared>> -> memref<10240x128xf32, #tpu.memory_space<vmem_shared>>
      %dma_wait3A_146 = tpu.memref_slice %arg11[%dma_wait3A_135] : memref<2x!tpu.dma_semaphore, #tpu.memory_space<semaphore_mem>> -> memref<1x!tpu.dma_semaphore, #tpu.memory_space<semaphore_mem>>
      %dma_wait3A_147 = tpu.memref_squeeze %dma_wait3A_146 : memref<1x!tpu.dma_semaphore, #tpu.memory_space<semaphore_mem>> -> memref<!tpu.dma_semaphore, #tpu.memory_space<semaphore_mem>>
      tpu.wait_indirect_dma semaphore(%dma_wait3A_147 : memref<!tpu.dma_semaphore, #tpu.memory_space<semaphore_mem>>) src(%dma_wait3A_139 : memref<128x128xf32, #tpu.memory_space<vmem>>) dst(%dma_wait3A_145 : memref<10240x128xf32, #tpu.memory_space<vmem_shared>>)
    }
    %scan3A_18 = arith.constant 20 : i32
    %barrier3A_19 = arith.constant 0 : index
    tpu.barrier barrier_id(%barrier3A_19)
    %mul3A_20 = arith.constant 640 : i32
    %mul3A_21 = arith.muli %arg1, %mul3A_20 : i32
    %mul3A_22 = arith.constant 640 : i32
    %mul3A_23 = arith.muli %arg1, %mul3A_22 : i32
    %add3A_24 = arith.addi %mul3A_2, %mul3A_23 : i32
    "tpu.region"() ({
      %run_scoped3A = tpu.sem_alloc : memref<!tpu.dma_semaphore, #tpu.memory_space<semaphore_mem>>
      %dma_start3A = arith.constant 0 : i32
      %dma_start3A_25 = tpu.memref_slice %arg5[%add3A_24, %dma_start3A] : memref<20480x128xf32, #tpu.memory_space<hbm>> -> memref<640x128xf32, #tpu.memory_space<hbm>>
      %dma_start3A_26 = arith.constant 0 : i32
      %dma_start3A_27 = tpu.memref_slice %arg9[%mul3A_21, %dma_start3A_26] : memref<10240x128xf32, #tpu.memory_space<vmem_shared>> -> memref<640x128xf32, #tpu.memory_space<vmem_shared>>
      tpu.enqueue_dma source(%dma_start3A_27 : memref<640x128xf32, #tpu.memory_space<vmem_shared>>) target(%dma_start3A_25 : memref<640x128xf32, #tpu.memory_space<hbm>>) target_semaphore(%run_scoped3A : memref<!tpu.dma_semaphore, #tpu.memory_space<semaphore_mem>>)
      %dma_wait3A = arith.constant 0 : i32
      %dma_wait3A_28 = tpu.memref_slice %arg5[%add3A_24, %dma_wait3A] : memref<20480x128xf32, #tpu.memory_space<hbm>> -> memref<640x128xf32, #tpu.memory_space<hbm>>
      %dma_wait3A_29 = arith.constant 0 : i32
      %dma_wait3A_30 = tpu.memref_slice %arg9[%mul3A_21, %dma_wait3A_29] : memref<10240x128xf32, #tpu.memory_space<vmem_shared>> -> memref<640x128xf32, #tpu.memory_space<vmem_shared>>
      tpu.wait_dma2 semaphore(%run_scoped3A : memref<!tpu.dma_semaphore, #tpu.memory_space<semaphore_mem>>) src(%dma_wait3A_30 : memref<640x128xf32, #tpu.memory_space<vmem_shared>>) dst(%dma_wait3A_28 : memref<640x128xf32, #tpu.memory_space<hbm>>)
      tpu.yield
    }) : () -> ()
    return
  }
}

#map = affine_map<(d0, d1) -> (0, 0, 0)>
#map1 = affine_map<(d0, d1) -> (0, 0)>
module attributes {stable_mosaic.version = 14 : i64} {
  func.func @_deg_body(%arg0: i32, %arg1: i32, %arg2: memref<32x40x128xi32, #tpu.memory_space<hbm>>, %arg3: memref<10240x16xf32, #tpu.memory_space<hbm>>, %arg4: memref<2x40x128xi32, #tpu.memory_space<vmem>>, %arg5: memref<128x16xf32, #tpu.memory_space<vmem>>, %arg6: memref<10240x16xf32, #tpu.memory_space<vmem_shared>>) attributes {dimension_semantics = [#tpu.dimension_semantics<core_parallel>, #tpu.dimension_semantics<subcore_parallel>], iteration_bounds = array<i64: 2, 16>, scalar_prefetch = 0 : i64, scratch_operands = 3 : i64, tpu.core_type = #tpu.core_type<sc_vector_subcore>, window_params = [{transform_indices = #map}, {transform_indices = #map1}]} {
    %eq3A = arith.constant 0 : i32
    %eq3A_0 = arith.cmpi eq, %arg0, %eq3A : i32
    %convert_element_type3A = arith.extui %eq3A_0 : i1 to i32
    %cond3A = arith.constant 0 : i32
    %cond3A_1 = arith.cmpi ne, %convert_element_type3A, %cond3A : i32
    scf.if %cond3A_1 {
      %scan3A = arith.constant 0 : i32
      %scan3A_2 = arith.constant 0 : i32
      %scan3A_3 = arith.constant 128 : i32
      %scan3A_4 = arith.addi %scan3A_2, %scan3A_3 : i32
      %scan3A_5 = arith.constant 1 : i32
      scf.for %scan3A_44 = %scan3A_2 to %scan3A_4 step %scan3A_5  : i32 {
        %broadcast_in_dim3A = arith.constant 1.000000e+00 : f32
        %broadcast_in_dim3A_45 = vector.broadcast %broadcast_in_dim3A : f32 to vector<16xf32>
        %swap3A = arith.index_cast %scan3A_44 : i32 to index
        %swap3A_46 = arith.constant 0 : index
        %swap3A_47 = tpu.vector_load %arg5[%swap3A, %swap3A_46] {strides = array<i32>} : memref<128x16xf32, #tpu.memory_space<vmem>>, vector<1x16xf32>,
        %swap3A_48 = vector.shape_cast %swap3A_47 : vector<1x16xf32> to vector<16xf32>
        %swap3A_49 = vector.shape_cast %broadcast_in_dim3A_45 : vector<16xf32> to vector<1x16xf32>
        tpu.vector_store %arg5[%swap3A, %swap3A_46], %swap3A_49 {strides = array<i32>} : memref<128x16xf32, #tpu.memory_space<vmem>>, vector<1x16xf32>,
      }
      %scan3A_6 = arith.constant 128 : i32
      %mul3A = arith.constant 640 : i32
      %mul3A_7 = arith.muli %arg1, %mul3A : i32
      %add3A = arith.constant 0 : i32
      %add3A_8 = arith.addi %mul3A_7, %add3A : i32
      "tpu.region"() ({
        %run_scoped3A = tpu.sem_alloc : memref<!tpu.dma_semaphore, #tpu.memory_space<semaphore_mem>>
        %dma_start3A = arith.constant 0 : i32
        %dma_start3A_44 = tpu.memref_slice %arg6[%add3A_8, %dma_start3A] : memref<10240x16xf32, #tpu.memory_space<vmem_shared>> -> memref<128x16xf32, #tpu.memory_space<vmem_shared>>
        %dma_start3A_45 = arith.constant 0 : i32
        %dma_start3A_46 = tpu.memref_slice %arg6[%add3A_8, %dma_start3A_45] : memref<10240x16xf32, #tpu.memory_space<vmem_shared>> -> memref<128x16xf32, #tpu.memory_space<vmem_shared>>
        tpu.enqueue_dma source(%arg5 : memref<128x16xf32, #tpu.memory_space<vmem>>) target(%dma_start3A_46 : memref<128x16xf32, #tpu.memory_space<vmem_shared>>) target_semaphore(%run_scoped3A : memref<!tpu.dma_semaphore, #tpu.memory_space<semaphore_mem>>)
        %dma_wait3A = arith.constant 0 : i32
        %dma_wait3A_47 = tpu.memref_slice %arg6[%add3A_8, %dma_wait3A] : memref<10240x16xf32, #tpu.memory_space<vmem_shared>> -> memref<128x16xf32, #tpu.memory_space<vmem_shared>>
        %dma_wait3A_48 = arith.constant 0 : i32
        %dma_wait3A_49 = tpu.memref_slice %arg6[%add3A_8, %dma_wait3A_48] : memref<10240x16xf32, #tpu.memory_space<vmem_shared>> -> memref<128x16xf32, #tpu.memory_space<vmem_shared>>
        tpu.wait_dma2 semaphore(%run_scoped3A : memref<!tpu.dma_semaphore, #tpu.memory_space<semaphore_mem>>) src(%arg5 : memref<128x16xf32, #tpu.memory_space<vmem>>) dst(%dma_wait3A_49 : memref<128x16xf32, #tpu.memory_space<vmem_shared>>)
        tpu.yield
      }) : () -> ()
      %mul3A_9 = arith.constant 640 : i32
      %mul3A_10 = arith.muli %arg1, %mul3A_9 : i32
      %add3A_11 = arith.constant 128 : i32
      %add3A_12 = arith.addi %mul3A_10, %add3A_11 : i32
      "tpu.region"() ({
        %run_scoped3A = tpu.sem_alloc : memref<!tpu.dma_semaphore, #tpu.memory_space<semaphore_mem>>
        %dma_start3A = arith.constant 0 : i32
        %dma_start3A_44 = tpu.memref_slice %arg6[%add3A_12, %dma_start3A] : memref<10240x16xf32, #tpu.memory_space<vmem_shared>> -> memref<128x16xf32, #tpu.memory_space<vmem_shared>>
        %dma_start3A_45 = arith.constant 0 : i32
        %dma_start3A_46 = tpu.memref_slice %arg6[%add3A_12, %dma_start3A_45] : memref<10240x16xf32, #tpu.memory_space<vmem_shared>> -> memref<128x16xf32, #tpu.memory_space<vmem_shared>>
        tpu.enqueue_dma source(%arg5 : memref<128x16xf32, #tpu.memory_space<vmem>>) target(%dma_start3A_46 : memref<128x16xf32, #tpu.memory_space<vmem_shared>>) target_semaphore(%run_scoped3A : memref<!tpu.dma_semaphore, #tpu.memory_space<semaphore_mem>>)
        %dma_wait3A = arith.constant 0 : i32
        %dma_wait3A_47 = tpu.memref_slice %arg6[%add3A_12, %dma_wait3A] : memref<10240x16xf32, #tpu.memory_space<vmem_shared>> -> memref<128x16xf32, #tpu.memory_space<vmem_shared>>
        %dma_wait3A_48 = arith.constant 0 : i32
        %dma_wait3A_49 = tpu.memref_slice %arg6[%add3A_12, %dma_wait3A_48] : memref<10240x16xf32, #tpu.memory_space<vmem_shared>> -> memref<128x16xf32, #tpu.memory_space<vmem_shared>>
        tpu.wait_dma2 semaphore(%run_scoped3A : memref<!tpu.dma_semaphore, #tpu.memory_space<semaphore_mem>>) src(%arg5 : memref<128x16xf32, #tpu.memory_space<vmem>>) dst(%dma_wait3A_49 : memref<128x16xf32, #tpu.memory_space<vmem_shared>>)
        tpu.yield
      }) : () -> ()
      %mul3A_13 = arith.constant 640 : i32
      %mul3A_14 = arith.muli %arg1, %mul3A_13 : i32
      %add3A_15 = arith.constant 256 : i32
      %add3A_16 = arith.addi %mul3A_14, %add3A_15 : i32
      "tpu.region"() ({
        %run_scoped3A = tpu.sem_alloc : memref<!tpu.dma_semaphore, #tpu.memory_space<semaphore_mem>>
        %dma_start3A = arith.constant 0 : i32
        %dma_start3A_44 = tpu.memref_slice %arg6[%add3A_16, %dma_start3A] : memref<10240x16xf32, #tpu.memory_space<vmem_shared>> -> memref<128x16xf32, #tpu.memory_space<vmem_shared>>
        %dma_start3A_45 = arith.constant 0 : i32
        %dma_start3A_46 = tpu.memref_slice %arg6[%add3A_16, %dma_start3A_45] : memref<10240x16xf32, #tpu.memory_space<vmem_shared>> -> memref<128x16xf32, #tpu.memory_space<vmem_shared>>
        tpu.enqueue_dma source(%arg5 : memref<128x16xf32, #tpu.memory_space<vmem>>) target(%dma_start3A_46 : memref<128x16xf32, #tpu.memory_space<vmem_shared>>) target_semaphore(%run_scoped3A : memref<!tpu.dma_semaphore, #tpu.memory_space<semaphore_mem>>)
        %dma_wait3A = arith.constant 0 : i32
        %dma_wait3A_47 = tpu.memref_slice %arg6[%add3A_16, %dma_wait3A] : memref<10240x16xf32, #tpu.memory_space<vmem_shared>> -> memref<128x16xf32, #tpu.memory_space<vmem_shared>>
        %dma_wait3A_48 = arith.constant 0 : i32
        %dma_wait3A_49 = tpu.memref_slice %arg6[%add3A_16, %dma_wait3A_48] : memref<10240x16xf32, #tpu.memory_space<vmem_shared>> -> memref<128x16xf32, #tpu.memory_space<vmem_shared>>
        tpu.wait_dma2 semaphore(%run_scoped3A : memref<!tpu.dma_semaphore, #tpu.memory_space<semaphore_mem>>) src(%arg5 : memref<128x16xf32, #tpu.memory_space<vmem>>) dst(%dma_wait3A_49 : memref<128x16xf32, #tpu.memory_space<vmem_shared>>)
        tpu.yield
      }) : () -> ()
      %mul3A_17 = arith.constant 640 : i32
      %mul3A_18 = arith.muli %arg1, %mul3A_17 : i32
      %add3A_19 = arith.constant 384 : i32
      %add3A_20 = arith.addi %mul3A_18, %add3A_19 : i32
      "tpu.region"() ({
        %run_scoped3A = tpu.sem_alloc : memref<!tpu.dma_semaphore, #tpu.memory_space<semaphore_mem>>
        %dma_start3A = arith.constant 0 : i32
        %dma_start3A_44 = tpu.memref_slice %arg6[%add3A_20, %dma_start3A] : memref<10240x16xf32, #tpu.memory_space<vmem_shared>> -> memref<128x16xf32, #tpu.memory_space<vmem_shared>>
        %dma_start3A_45 = arith.constant 0 : i32
        %dma_start3A_46 = tpu.memref_slice %arg6[%add3A_20, %dma_start3A_45] : memref<10240x16xf32, #tpu.memory_space<vmem_shared>> -> memref<128x16xf32, #tpu.memory_space<vmem_shared>>
        tpu.enqueue_dma source(%arg5 : memref<128x16xf32, #tpu.memory_space<vmem>>) target(%dma_start3A_46 : memref<128x16xf32, #tpu.memory_space<vmem_shared>>) target_semaphore(%run_scoped3A : memref<!tpu.dma_semaphore, #tpu.memory_space<semaphore_mem>>)
        %dma_wait3A = arith.constant 0 : i32
        %dma_wait3A_47 = tpu.memref_slice %arg6[%add3A_20, %dma_wait3A] : memref<10240x16xf32, #tpu.memory_space<vmem_shared>> -> memref<128x16xf32, #tpu.memory_space<vmem_shared>>
        %dma_wait3A_48 = arith.constant 0 : i32
        %dma_wait3A_49 = tpu.memref_slice %arg6[%add3A_20, %dma_wait3A_48] : memref<10240x16xf32, #tpu.memory_space<vmem_shared>> -> memref<128x16xf32, #tpu.memory_space<vmem_shared>>
        tpu.wait_dma2 semaphore(%run_scoped3A : memref<!tpu.dma_semaphore, #tpu.memory_space<semaphore_mem>>) src(%arg5 : memref<128x16xf32, #tpu.memory_space<vmem>>) dst(%dma_wait3A_49 : memref<128x16xf32, #tpu.memory_space<vmem_shared>>)
        tpu.yield
      }) : () -> ()
      %mul3A_21 = arith.constant 640 : i32
      %mul3A_22 = arith.muli %arg1, %mul3A_21 : i32
      %add3A_23 = arith.constant 512 : i32
      %add3A_24 = arith.addi %mul3A_22, %add3A_23 : i32
      "tpu.region"() ({
        %run_scoped3A = tpu.sem_alloc : memref<!tpu.dma_semaphore, #tpu.memory_space<semaphore_mem>>
        %dma_start3A = arith.constant 0 : i32
        %dma_start3A_44 = tpu.memref_slice %arg6[%add3A_24, %dma_start3A] : memref<10240x16xf32, #tpu.memory_space<vmem_shared>> -> memref<128x16xf32, #tpu.memory_space<vmem_shared>>
        %dma_start3A_45 = arith.constant 0 : i32
        %dma_start3A_46 = tpu.memref_slice %arg6[%add3A_24, %dma_start3A_45] : memref<10240x16xf32, #tpu.memory_space<vmem_shared>> -> memref<128x16xf32, #tpu.memory_space<vmem_shared>>
        tpu.enqueue_dma source(%arg5 : memref<128x16xf32, #tpu.memory_space<vmem>>) target(%dma_start3A_46 : memref<128x16xf32, #tpu.memory_space<vmem_shared>>) target_semaphore(%run_scoped3A : memref<!tpu.dma_semaphore, #tpu.memory_space<semaphore_mem>>)
        %dma_wait3A = arith.constant 0 : i32
        %dma_wait3A_47 = tpu.memref_slice %arg6[%add3A_24, %dma_wait3A] : memref<10240x16xf32, #tpu.memory_space<vmem_shared>> -> memref<128x16xf32, #tpu.memory_space<vmem_shared>>
        %dma_wait3A_48 = arith.constant 0 : i32
        %dma_wait3A_49 = tpu.memref_slice %arg6[%add3A_24, %dma_wait3A_48] : memref<10240x16xf32, #tpu.memory_space<vmem_shared>> -> memref<128x16xf32, #tpu.memory_space<vmem_shared>>
        tpu.wait_dma2 semaphore(%run_scoped3A : memref<!tpu.dma_semaphore, #tpu.memory_space<semaphore_mem>>) src(%arg5 : memref<128x16xf32, #tpu.memory_space<vmem>>) dst(%dma_wait3A_49 : memref<128x16xf32, #tpu.memory_space<vmem_shared>>)
        tpu.yield
      }) : () -> ()
      %mul3A_25 = arith.constant 2 : i32
      %mul3A_26 = arith.muli %arg1, %mul3A_25 : i32
      "tpu.region"() ({
        %run_scoped3A = tpu.sem_alloc : memref<!tpu.dma_semaphore, #tpu.memory_space<semaphore_mem>>
        %dma_start3A = arith.constant 0 : i32
        %dma_start3A_44 = arith.constant 0 : i32
        %dma_start3A_45 = tpu.memref_slice %arg2[%mul3A_26, %dma_start3A, %dma_start3A_44] : memref<32x40x128xi32, #tpu.memory_space<hbm>> -> memref<2x40x128xi32, #tpu.memory_space<hbm>>
        %dma_start3A_46 = arith.constant 0 : i32
        %dma_start3A_47 = arith.constant 0 : i32
        %dma_start3A_48 = tpu.memref_slice %arg2[%mul3A_26, %dma_start3A_46, %dma_start3A_47] : memref<32x40x128xi32, #tpu.memory_space<hbm>> -> memref<2x40x128xi32, #tpu.memory_space<hbm>>
        tpu.enqueue_dma source(%dma_start3A_48 : memref<2x40x128xi32, #tpu.memory_space<hbm>>) target(%arg4 : memref<2x40x128xi32, #tpu.memory_space<vmem>>) target_semaphore(%run_scoped3A : memref<!tpu.dma_semaphore, #tpu.memory_space<semaphore_mem>>)
        %dma_wait3A = arith.constant 0 : i32
        %dma_wait3A_49 = arith.constant 0 : i32
        %dma_wait3A_50 = tpu.memref_slice %arg2[%mul3A_26, %dma_wait3A, %dma_wait3A_49] : memref<32x40x128xi32, #tpu.memory_space<hbm>> -> memref<2x40x128xi32, #tpu.memory_space<hbm>>
        %dma_wait3A_51 = arith.constant 0 : i32
        %dma_wait3A_52 = arith.constant 0 : i32
        %dma_wait3A_53 = tpu.memref_slice %arg2[%mul3A_26, %dma_wait3A_51, %dma_wait3A_52] : memref<32x40x128xi32, #tpu.memory_space<hbm>> -> memref<2x40x128xi32, #tpu.memory_space<hbm>>
        tpu.wait_dma2 semaphore(%run_scoped3A : memref<!tpu.dma_semaphore, #tpu.memory_space<semaphore_mem>>) src(%dma_wait3A_53 : memref<2x40x128xi32, #tpu.memory_space<hbm>>) dst(%arg4 : memref<2x40x128xi32, #tpu.memory_space<vmem>>)
        tpu.yield
      }) : () -> ()
      %barrier3A = arith.constant 0 : index
      tpu.barrier barrier_id(%barrier3A)
      %scan3A_27 = arith.constant 0 : i32
      %scan3A_28 = arith.constant 0 : i32
      %scan3A_29 = arith.constant 40 : i32
      %scan3A_30 = arith.addi %scan3A_28, %scan3A_29 : i32
      %scan3A_31 = arith.constant 1 : i32
      scf.for %scan3A_44 = %scan3A_28 to %scan3A_30 step %scan3A_31  : i32 {
        %run_scoped3A = arith.constant 0 : i32
        "tpu.region"() ({
          %run_scoped3A_45 = tpu.sem_alloc : memref<!tpu.dma_semaphore, #tpu.memory_space<semaphore_mem>>
          %dma_start3A = arith.constant 0 : i32
          %dma_start3A_46 = tpu.memref_slice %arg4[%run_scoped3A, %scan3A_44, %dma_start3A] : memref<2x40x128xi32, #tpu.memory_space<vmem>> -> memref<1x1x128xi32, #tpu.memory_space<vmem>>
          %dma_start3A_47 = tpu.memref_squeeze %dma_start3A_46 : memref<1x1x128xi32, #tpu.memory_space<vmem>> -> memref<128xi32, #tpu.memory_space<vmem>>
          %dma_start3A_48 = arith.constant 0 : i32
          %dma_start3A_49 = arith.constant 0 : i32
          %dma_start3A_50 = tpu.memref_slice %arg6[%dma_start3A_48, %dma_start3A_49] : memref<10240x16xf32, #tpu.memory_space<vmem_shared>> -> memref<10240x16xf32, #tpu.memory_space<vmem_shared>>
          tpu.enqueue_indirect_dma source(%arg5 : memref<128x16xf32, #tpu.memory_space<vmem>>) target(%dma_start3A_50 : memref<10240x16xf32, #tpu.memory_space<vmem_shared>>) offsets(%dma_start3A_47 : memref<128xi32, #tpu.memory_space<vmem>>) semaphore(%run_scoped3A_45 : memref<!tpu.dma_semaphore, #tpu.memory_space<semaphore_mem>>) {add = true}
          %dma_wait3A = arith.constant 0 : i32
          %dma_wait3A_51 = tpu.memref_slice %arg4[%run_scoped3A, %scan3A_44, %dma_wait3A] : memref<2x40x128xi32, #tpu.memory_space<vmem>> -> memref<1x1x128xi32, #tpu.memory_space<vmem>>
          %dma_wait3A_52 = tpu.memref_squeeze %dma_wait3A_51 : memref<1x1x128xi32, #tpu.memory_space<vmem>> -> memref<128xi32, #tpu.memory_space<vmem>>
          %dma_wait3A_53 = arith.constant 0 : i32
          %dma_wait3A_54 = arith.constant 0 : i32
          %dma_wait3A_55 = tpu.memref_slice %arg6[%dma_wait3A_53, %dma_wait3A_54] : memref<10240x16xf32, #tpu.memory_space<vmem_shared>> -> memref<10240x16xf32, #tpu.memory_space<vmem_shared>>
          tpu.wait_indirect_dma semaphore(%run_scoped3A_45 : memref<!tpu.dma_semaphore, #tpu.memory_space<semaphore_mem>>) src(%arg5 : memref<128x16xf32, #tpu.memory_space<vmem>>) dst(%dma_wait3A_55 : memref<10240x16xf32, #tpu.memory_space<vmem_shared>>)
          tpu.yield
        }) : () -> ()
      }
      %scan3A_32 = arith.constant 40 : i32
      %scan3A_33 = arith.constant 0 : i32
      %scan3A_34 = arith.constant 0 : i32
      %scan3A_35 = arith.constant 40 : i32
      %scan3A_36 = arith.addi %scan3A_34, %scan3A_35 : i32
      %scan3A_37 = arith.constant 1 : i32
      scf.for %scan3A_44 = %scan3A_34 to %scan3A_36 step %scan3A_37  : i32 {
        %run_scoped3A = arith.constant 1 : i32
        "tpu.region"() ({
          %run_scoped3A_45 = tpu.sem_alloc : memref<!tpu.dma_semaphore, #tpu.memory_space<semaphore_mem>>
          %dma_start3A = arith.constant 0 : i32
          %dma_start3A_46 = tpu.memref_slice %arg4[%run_scoped3A, %scan3A_44, %dma_start3A] : memref<2x40x128xi32, #tpu.memory_space<vmem>> -> memref<1x1x128xi32, #tpu.memory_space<vmem>>
          %dma_start3A_47 = tpu.memref_squeeze %dma_start3A_46 : memref<1x1x128xi32, #tpu.memory_space<vmem>> -> memref<128xi32, #tpu.memory_space<vmem>>
          %dma_start3A_48 = arith.constant 0 : i32
          %dma_start3A_49 = arith.constant 0 : i32
          %dma_start3A_50 = tpu.memref_slice %arg6[%dma_start3A_48, %dma_start3A_49] : memref<10240x16xf32, #tpu.memory_space<vmem_shared>> -> memref<10240x16xf32, #tpu.memory_space<vmem_shared>>
          tpu.enqueue_indirect_dma source(%arg5 : memref<128x16xf32, #tpu.memory_space<vmem>>) target(%dma_start3A_50 : memref<10240x16xf32, #tpu.memory_space<vmem_shared>>) offsets(%dma_start3A_47 : memref<128xi32, #tpu.memory_space<vmem>>) semaphore(%run_scoped3A_45 : memref<!tpu.dma_semaphore, #tpu.memory_space<semaphore_mem>>) {add = true}
          %dma_wait3A = arith.constant 0 : i32
          %dma_wait3A_51 = tpu.memref_slice %arg4[%run_scoped3A, %scan3A_44, %dma_wait3A] : memref<2x40x128xi32, #tpu.memory_space<vmem>> -> memref<1x1x128xi32, #tpu.memory_space<vmem>>
          %dma_wait3A_52 = tpu.memref_squeeze %dma_wait3A_51 : memref<1x1x128xi32, #tpu.memory_space<vmem>> -> memref<128xi32, #tpu.memory_space<vmem>>
          %dma_wait3A_53 = arith.constant 0 : i32
          %dma_wait3A_54 = arith.constant 0 : i32
          %dma_wait3A_55 = tpu.memref_slice %arg6[%dma_wait3A_53, %dma_wait3A_54] : memref<10240x16xf32, #tpu.memory_space<vmem_shared>> -> memref<10240x16xf32, #tpu.memory_space<vmem_shared>>
          tpu.wait_indirect_dma semaphore(%run_scoped3A_45 : memref<!tpu.dma_semaphore, #tpu.memory_space<semaphore_mem>>) src(%arg5 : memref<128x16xf32, #tpu.memory_space<vmem>>) dst(%dma_wait3A_55 : memref<10240x16xf32, #tpu.memory_space<vmem_shared>>)
          tpu.yield
        }) : () -> ()
      }
      %scan3A_38 = arith.constant 40 : i32
      %barrier3A_39 = arith.constant 0 : index
      tpu.barrier barrier_id(%barrier3A_39)
      %mul3A_40 = arith.constant 640 : i32
      %mul3A_41 = arith.muli %arg1, %mul3A_40 : i32
      %mul3A_42 = arith.constant 640 : i32
      %mul3A_43 = arith.muli %arg1, %mul3A_42 : i32
      "tpu.region"() ({
        %run_scoped3A = tpu.sem_alloc : memref<!tpu.dma_semaphore, #tpu.memory_space<semaphore_mem>>
        %dma_start3A = arith.constant 0 : i32
        %dma_start3A_44 = tpu.memref_slice %arg3[%mul3A_43, %dma_start3A] : memref<10240x16xf32, #tpu.memory_space<hbm>> -> memref<640x16xf32, #tpu.memory_space<hbm>>
        %dma_start3A_45 = arith.constant 0 : i32
        %dma_start3A_46 = tpu.memref_slice %arg6[%mul3A_41, %dma_start3A_45] : memref<10240x16xf32, #tpu.memory_space<vmem_shared>> -> memref<640x16xf32, #tpu.memory_space<vmem_shared>>
        tpu.enqueue_dma source(%dma_start3A_46 : memref<640x16xf32, #tpu.memory_space<vmem_shared>>) target(%dma_start3A_44 : memref<640x16xf32, #tpu.memory_space<hbm>>) target_semaphore(%run_scoped3A : memref<!tpu.dma_semaphore, #tpu.memory_space<semaphore_mem>>)
        %dma_wait3A = arith.constant 0 : i32
        %dma_wait3A_47 = tpu.memref_slice %arg3[%mul3A_43, %dma_wait3A] : memref<10240x16xf32, #tpu.memory_space<hbm>> -> memref<640x16xf32, #tpu.memory_space<hbm>>
        %dma_wait3A_48 = arith.constant 0 : i32
        %dma_wait3A_49 = tpu.memref_slice %arg6[%mul3A_41, %dma_wait3A_48] : memref<10240x16xf32, #tpu.memory_space<vmem_shared>> -> memref<640x16xf32, #tpu.memory_space<vmem_shared>>
        tpu.wait_dma2 semaphore(%run_scoped3A : memref<!tpu.dma_semaphore, #tpu.memory_space<semaphore_mem>>) src(%dma_wait3A_49 : memref<640x16xf32, #tpu.memory_space<vmem_shared>>) dst(%dma_wait3A_47 : memref<640x16xf32, #tpu.memory_space<hbm>>)
        tpu.yield
      }) : () -> ()
    } else {
    }
    return
  }
}

#map = affine_map<(d0, d1) -> (0, 0)>
#map1 = affine_map<(d0, d1) -> (0, 0, 0)>
module attributes {stable_mosaic.version = 14 : i64} {
  func.func @_agg_body(%arg0: i32, %arg1: i32, %arg2: memref<20480x128xf32, #tpu.memory_space<hbm>>, %arg3: memref<32x5120xi32, #tpu.memory_space<hbm>>, %arg4: memref<32x40x128xi32, #tpu.memory_space<hbm>>, %arg5: memref<20480x128xf32, #tpu.memory_space<hbm>>, %arg6: memref<5120xi32, #tpu.memory_space<vmem>>, %arg7: memref<40x128xi32, #tpu.memory_space<vmem>>, %arg8: memref<2x128x128xf32, #tpu.memory_space<vmem>>, %arg9: memref<10240x128xf32, #tpu.memory_space<vmem_shared>>, %arg10: memref<2x!tpu.dma_semaphore, #tpu.memory_space<semaphore_mem>>, %arg11: memref<2x!tpu.dma_semaphore, #tpu.memory_space<semaphore_mem>>) attributes {dimension_semantics = [#tpu.dimension_semantics<core_parallel>, #tpu.dimension_semantics<subcore_parallel>], iteration_bounds = array<i64: 2, 16>, scalar_prefetch = 0 : i64, scratch_operands = 6 : i64, tpu.core_type = #tpu.core_type<sc_vector_subcore>, window_params = [{transform_indices = #map}, {transform_indices = #map}, {transform_indices = #map1}, {transform_indices = #map}]} {
    %mul3A = arith.constant 2 : i32
    %mul3A_0 = arith.muli %arg1, %mul3A : i32
    %add3A = arith.addi %mul3A_0, %arg0 : i32
    %mul3A_1 = arith.constant 10240 : i32
    %mul3A_2 = arith.muli %arg0, %mul3A_1 : i32
    "tpu.region"() ({
      %run_scoped3A = tpu.sem_alloc : memref<!tpu.dma_semaphore, #tpu.memory_space<semaphore_mem>>
      %dma_start3A = arith.constant 0 : i32
      %dma_start3A_25 = tpu.memref_slice %arg3[%add3A, %dma_start3A] : memref<32x5120xi32, #tpu.memory_space<hbm>> -> memref<1x5120xi32, #tpu.memory_space<hbm>>
      %dma_start3A_26 = tpu.memref_squeeze %dma_start3A_25 : memref<1x5120xi32, #tpu.memory_space<hbm>> -> memref<5120xi32, #tpu.memory_space<hbm>>
      %dma_start3A_27 = arith.constant 0 : i32
      %dma_start3A_28 = tpu.memref_slice %arg3[%add3A, %dma_start3A_27] : memref<32x5120xi32, #tpu.memory_space<hbm>> -> memref<1x5120xi32, #tpu.memory_space<hbm>>
      %dma_start3A_29 = tpu.memref_squeeze %dma_start3A_28 : memref<1x5120xi32, #tpu.memory_space<hbm>> -> memref<5120xi32, #tpu.memory_space<hbm>>
      tpu.enqueue_dma source(%dma_start3A_29 : memref<5120xi32, #tpu.memory_space<hbm>>) target(%arg6 : memref<5120xi32, #tpu.memory_space<vmem>>) target_semaphore(%run_scoped3A : memref<!tpu.dma_semaphore, #tpu.memory_space<semaphore_mem>>)
      %dma_wait3A = arith.constant 0 : i32
      %dma_wait3A_30 = tpu.memref_slice %arg3[%add3A, %dma_wait3A] : memref<32x5120xi32, #tpu.memory_space<hbm>> -> memref<1x5120xi32, #tpu.memory_space<hbm>>
      %dma_wait3A_31 = tpu.memref_squeeze %dma_wait3A_30 : memref<1x5120xi32, #tpu.memory_space<hbm>> -> memref<5120xi32, #tpu.memory_space<hbm>>
      %dma_wait3A_32 = arith.constant 0 : i32
      %dma_wait3A_33 = tpu.memref_slice %arg3[%add3A, %dma_wait3A_32] : memref<32x5120xi32, #tpu.memory_space<hbm>> -> memref<1x5120xi32, #tpu.memory_space<hbm>>
      %dma_wait3A_34 = tpu.memref_squeeze %dma_wait3A_33 : memref<1x5120xi32, #tpu.memory_space<hbm>> -> memref<5120xi32, #tpu.memory_space<hbm>>
      tpu.wait_dma2 semaphore(%run_scoped3A : memref<!tpu.dma_semaphore, #tpu.memory_space<semaphore_mem>>) src(%dma_wait3A_34 : memref<5120xi32, #tpu.memory_space<hbm>>) dst(%arg6 : memref<5120xi32, #tpu.memory_space<vmem>>)
      tpu.yield
    }) : () -> ()
    "tpu.region"() ({
      %run_scoped3A = tpu.sem_alloc : memref<!tpu.dma_semaphore, #tpu.memory_space<semaphore_mem>>
      %dma_start3A = arith.constant 0 : i32
      %dma_start3A_25 = arith.constant 0 : i32
      %dma_start3A_26 = tpu.memref_slice %arg4[%add3A, %dma_start3A, %dma_start3A_25] : memref<32x40x128xi32, #tpu.memory_space<hbm>> -> memref<1x40x128xi32, #tpu.memory_space<hbm>>
      %dma_start3A_27 = tpu.memref_squeeze %dma_start3A_26 : memref<1x40x128xi32, #tpu.memory_space<hbm>> -> memref<40x128xi32, #tpu.memory_space<hbm>>
      %dma_start3A_28 = arith.constant 0 : i32
      %dma_start3A_29 = arith.constant 0 : i32
      %dma_start3A_30 = tpu.memref_slice %arg4[%add3A, %dma_start3A_28, %dma_start3A_29] : memref<32x40x128xi32, #tpu.memory_space<hbm>> -> memref<1x40x128xi32, #tpu.memory_space<hbm>>
      %dma_start3A_31 = tpu.memref_squeeze %dma_start3A_30 : memref<1x40x128xi32, #tpu.memory_space<hbm>> -> memref<40x128xi32, #tpu.memory_space<hbm>>
      tpu.enqueue_dma source(%dma_start3A_31 : memref<40x128xi32, #tpu.memory_space<hbm>>) target(%arg7 : memref<40x128xi32, #tpu.memory_space<vmem>>) target_semaphore(%run_scoped3A : memref<!tpu.dma_semaphore, #tpu.memory_space<semaphore_mem>>)
      %dma_wait3A = arith.constant 0 : i32
      %dma_wait3A_32 = arith.constant 0 : i32
      %dma_wait3A_33 = tpu.memref_slice %arg4[%add3A, %dma_wait3A, %dma_wait3A_32] : memref<32x40x128xi32, #tpu.memory_space<hbm>> -> memref<1x40x128xi32, #tpu.memory_space<hbm>>
      %dma_wait3A_34 = tpu.memref_squeeze %dma_wait3A_33 : memref<1x40x128xi32, #tpu.memory_space<hbm>> -> memref<40x128xi32, #tpu.memory_space<hbm>>
      %dma_wait3A_35 = arith.constant 0 : i32
      %dma_wait3A_36 = arith.constant 0 : i32
      %dma_wait3A_37 = tpu.memref_slice %arg4[%add3A, %dma_wait3A_35, %dma_wait3A_36] : memref<32x40x128xi32, #tpu.memory_space<hbm>> -> memref<1x40x128xi32, #tpu.memory_space<hbm>>
      %dma_wait3A_38 = tpu.memref_squeeze %dma_wait3A_37 : memref<1x40x128xi32, #tpu.memory_space<hbm>> -> memref<40x128xi32, #tpu.memory_space<hbm>>
      tpu.wait_dma2 semaphore(%run_scoped3A : memref<!tpu.dma_semaphore, #tpu.memory_space<semaphore_mem>>) src(%dma_wait3A_38 : memref<40x128xi32, #tpu.memory_space<hbm>>) dst(%arg7 : memref<40x128xi32, #tpu.memory_space<vmem>>)
      tpu.yield
    }) : () -> ()
    %scan3A = arith.constant 0 : i32
    %scan3A_3 = arith.constant 0 : i32
    %scan3A_4 = arith.constant 320 : i32
    %scan3A_5 = arith.addi %scan3A_3, %scan3A_4 : i32
    %scan3A_6 = arith.constant 1 : i32
    scf.for %scan3A_25 = %scan3A_3 to %scan3A_5 step %scan3A_6  : i32 {
      %mul3A_26 = arith.constant 16 : i32
      %mul3A_27 = arith.muli %scan3A_25, %mul3A_26 : i32
      %get3A = arith.index_cast %mul3A_27 : i32 to index
      %get3A_28 = tpu.vector_load %arg6[%get3A] {strides = array<i32>} : memref<5120xi32, #tpu.memory_space<vmem>>, vector<16xi32>,
      %get3A_29 = vector.shape_cast %get3A_28 : vector<16xi32> to vector<16xi32>
      %add3A_30 = vector.broadcast %mul3A_2 : i32 to vector<16xi32>
      %add3A_31 = arith.addi %get3A_29, %add3A_30 : vector<16xi32>
      %mul3A_32 = arith.constant 16 : i32
      %mul3A_33 = arith.muli %scan3A_25, %mul3A_32 : i32
      %swap3A = arith.index_cast %mul3A_33 : i32 to index
      %swap3A_34 = tpu.vector_load %arg6[%swap3A] {strides = array<i32>} : memref<5120xi32, #tpu.memory_space<vmem>>, vector<16xi32>,
      %swap3A_35 = vector.shape_cast %swap3A_34 : vector<16xi32> to vector<16xi32>
      %swap3A_36 = vector.shape_cast %add3A_31 : vector<16xi32> to vector<16xi32>
      tpu.vector_store %arg6[%swap3A], %swap3A_36 {strides = array<i32>} : memref<5120xi32, #tpu.memory_space<vmem>>, vector<16xi32>,
    }
    %scan3A_7 = arith.constant 320 : i32
    %mul3A_8 = arith.constant 640 : i32
    %mul3A_9 = arith.muli %arg1, %mul3A_8 : i32
    %add3A_10 = arith.addi %mul3A_2, %mul3A_9 : i32
    %mul3A_11 = arith.constant 640 : i32
    %mul3A_12 = arith.muli %arg1, %mul3A_11 : i32
    "tpu.region"() ({
      %run_scoped3A = tpu.sem_alloc : memref<!tpu.dma_semaphore, #tpu.memory_space<semaphore_mem>>
      %dma_start3A = arith.constant 0 : i32
      %dma_start3A_25 = tpu.memref_slice %arg9[%mul3A_12, %dma_start3A] : memref<10240x128xf32, #tpu.memory_space<vmem_shared>> -> memref<640x128xf32, #tpu.memory_space<vmem_shared>>
      %dma_start3A_26 = arith.constant 0 : i32
      %dma_start3A_27 = tpu.memref_slice %arg2[%add3A_10, %dma_start3A_26] : memref<20480x128xf32, #tpu.memory_space<hbm>> -> memref<640x128xf32, #tpu.memory_space<hbm>>
      tpu.enqueue_dma source(%dma_start3A_27 : memref<640x128xf32, #tpu.memory_space<hbm>>) target(%dma_start3A_25 : memref<640x128xf32, #tpu.memory_space<vmem_shared>>) target_semaphore(%run_scoped3A : memref<!tpu.dma_semaphore, #tpu.memory_space<semaphore_mem>>)
      %dma_wait3A = arith.constant 0 : i32
      %dma_wait3A_28 = tpu.memref_slice %arg9[%mul3A_12, %dma_wait3A] : memref<10240x128xf32, #tpu.memory_space<vmem_shared>> -> memref<640x128xf32, #tpu.memory_space<vmem_shared>>
      %dma_wait3A_29 = arith.constant 0 : i32
      %dma_wait3A_30 = tpu.memref_slice %arg2[%add3A_10, %dma_wait3A_29] : memref<20480x128xf32, #tpu.memory_space<hbm>> -> memref<640x128xf32, #tpu.memory_space<hbm>>
      tpu.wait_dma2 semaphore(%run_scoped3A : memref<!tpu.dma_semaphore, #tpu.memory_space<semaphore_mem>>) src(%dma_wait3A_30 : memref<640x128xf32, #tpu.memory_space<hbm>>) dst(%dma_wait3A_28 : memref<640x128xf32, #tpu.memory_space<vmem_shared>>)
      tpu.yield
    }) : () -> ()
    %barrier3A = arith.constant 0 : index
    tpu.barrier barrier_id(%barrier3A)
    %scan3A_13 = arith.constant 0 : i32
    %scan3A_14 = arith.constant 0 : i32
    %scan3A_15 = arith.constant 20 : i32
    %scan3A_16 = arith.addi %scan3A_14, %scan3A_15 : i32
    %scan3A_17 = arith.constant 1 : i32
    scf.for %scan3A_25 = %scan3A_14 to %scan3A_16 step %scan3A_17  : i32 {
      %mul3A_26 = arith.constant 2 : i32
      %mul3A_27 = arith.muli %scan3A_25, %mul3A_26 : i32
      %add3A_28 = arith.constant 0 : i32
      %add3A_29 = arith.addi %mul3A_27, %add3A_28 : i32
      %mul3A_30 = arith.constant 128 : i32
      %mul3A_31 = arith.muli %add3A_29, %mul3A_30 : i32
      %dma_start3A = arith.constant 0 : i32
      %dma_start3A_32 = arith.constant 0 : i32
      %dma_start3A_33 = arith.constant 0 : i32
      %dma_start3A_34 = arith.constant 0 : i32
      %dma_start3A_35 = tpu.memref_slice %arg8[%dma_start3A, %dma_start3A_33, %dma_start3A_34] : memref<2x128x128xf32, #tpu.memory_space<vmem>> -> memref<1x128x128xf32, #tpu.memory_space<vmem>>
      %dma_start3A_36 = tpu.memref_squeeze %dma_start3A_35 : memref<1x128x128xf32, #tpu.memory_space<vmem>> -> memref<128x128xf32, #tpu.memory_space<vmem>>
      %dma_start3A_37 = tpu.memref_slice %arg6[%mul3A_31] : memref<5120xi32, #tpu.memory_space<vmem>> -> memref<128xi32, #tpu.memory_space<vmem>>
      %dma_start3A_38 = arith.constant 0 : i32
      %dma_start3A_39 = arith.constant 0 : i32
      %dma_start3A_40 = tpu.memref_slice %arg2[%dma_start3A_38, %dma_start3A_39] : memref<20480x128xf32, #tpu.memory_space<hbm>> -> memref<20480x128xf32, #tpu.memory_space<hbm>>
      %dma_start3A_41 = tpu.memref_slice %arg10[%dma_start3A_32] : memref<2x!tpu.dma_semaphore, #tpu.memory_space<semaphore_mem>> -> memref<1x!tpu.dma_semaphore, #tpu.memory_space<semaphore_mem>>
      %dma_start3A_42 = tpu.memref_squeeze %dma_start3A_41 : memref<1x!tpu.dma_semaphore, #tpu.memory_space<semaphore_mem>> -> memref<!tpu.dma_semaphore, #tpu.memory_space<semaphore_mem>>
      tpu.enqueue_indirect_dma source(%dma_start3A_40 : memref<20480x128xf32, #tpu.memory_space<hbm>>) target(%dma_start3A_36 : memref<128x128xf32, #tpu.memory_space<vmem>>) offsets(%dma_start3A_37 : memref<128xi32, #tpu.memory_space<vmem>>) semaphore(%dma_start3A_42 : memref<!tpu.dma_semaphore, #tpu.memory_space<semaphore_mem>>)
      %mul3A_43 = arith.constant 2 : i32
      %mul3A_44 = arith.muli %scan3A_25, %mul3A_43 : i32
      %add3A_45 = arith.constant 1 : i32
      %add3A_46 = arith.addi %mul3A_44, %add3A_45 : i32
      %mul3A_47 = arith.constant 128 : i32
      %mul3A_48 = arith.muli %add3A_46, %mul3A_47 : i32
      %dma_start3A_49 = arith.constant 1 : i32
      %dma_start3A_50 = arith.constant 1 : i32
      %dma_start3A_51 = arith.constant 0 : i32
      %dma_start3A_52 = arith.constant 0 : i32
      %dma_start3A_53 = tpu.memref_slice %arg8[%dma_start3A_49, %dma_start3A_51, %dma_start3A_52] : memref<2x128x128xf32, #tpu.memory_space<vmem>> -> memref<1x128x128xf32, #tpu.memory_space<vmem>>
      %dma_start3A_54 = tpu.memref_squeeze %dma_start3A_53 : memref<1x128x128xf32, #tpu.memory_space<vmem>> -> memref<128x128xf32, #tpu.memory_space<vmem>>
      %dma_start3A_55 = tpu.memref_slice %arg6[%mul3A_48] : memref<5120xi32, #tpu.memory_space<vmem>> -> memref<128xi32, #tpu.memory_space<vmem>>
      %dma_start3A_56 = arith.constant 0 : i32
      %dma_start3A_57 = arith.constant 0 : i32
      %dma_start3A_58 = tpu.memref_slice %arg2[%dma_start3A_56, %dma_start3A_57] : memref<20480x128xf32, #tpu.memory_space<hbm>> -> memref<20480x128xf32, #tpu.memory_space<hbm>>
      %dma_start3A_59 = tpu.memref_slice %arg10[%dma_start3A_50] : memref<2x!tpu.dma_semaphore, #tpu.memory_space<semaphore_mem>> -> memref<1x!tpu.dma_semaphore, #tpu.memory_space<semaphore_mem>>
      %dma_start3A_60 = tpu.memref_squeeze %dma_start3A_59 : memref<1x!tpu.dma_semaphore, #tpu.memory_space<semaphore_mem>> -> memref<!tpu.dma_semaphore, #tpu.memory_space<semaphore_mem>>
      tpu.enqueue_indirect_dma source(%dma_start3A_58 : memref<20480x128xf32, #tpu.memory_space<hbm>>) target(%dma_start3A_54 : memref<128x128xf32, #tpu.memory_space<vmem>>) offsets(%dma_start3A_55 : memref<128xi32, #tpu.memory_space<vmem>>) semaphore(%dma_start3A_60 : memref<!tpu.dma_semaphore, #tpu.memory_space<semaphore_mem>>)
      %mul3A_61 = arith.constant 2 : i32
      %mul3A_62 = arith.muli %scan3A_25, %mul3A_61 : i32
      %add3A_63 = arith.constant 0 : i32
      %add3A_64 = arith.addi %mul3A_62, %add3A_63 : i32
      %dma_wait3A = arith.constant 0 : i32
      %dma_wait3A_65 = arith.constant 0 : i32
      %dma_wait3A_66 = arith.constant 0 : i32
      %dma_wait3A_67 = arith.constant 0 : i32
      %dma_wait3A_68 = tpu.memref_slice %arg8[%dma_wait3A, %dma_wait3A_66, %dma_wait3A_67] : memref<2x128x128xf32, #tpu.memory_space<vmem>> -> memref<1x128x128xf32, #tpu.memory_space<vmem>>
      %dma_wait3A_69 = tpu.memref_squeeze %dma_wait3A_68 : memref<1x128x128xf32, #tpu.memory_space<vmem>> -> memref<128x128xf32, #tpu.memory_space<vmem>>
      %dma_wait3A_70 = tpu.memref_slice %arg6[%mul3A_31] : memref<5120xi32, #tpu.memory_space<vmem>> -> memref<128xi32, #tpu.memory_space<vmem>>
      %dma_wait3A_71 = arith.constant 0 : i32
      %dma_wait3A_72 = arith.constant 0 : i32
      %dma_wait3A_73 = tpu.memref_slice %arg2[%dma_wait3A_71, %dma_wait3A_72] : memref<20480x128xf32, #tpu.memory_space<hbm>> -> memref<20480x128xf32, #tpu.memory_space<hbm>>
      %dma_wait3A_74 = tpu.memref_slice %arg10[%dma_wait3A_65] : memref<2x!tpu.dma_semaphore, #tpu.memory_space<semaphore_mem>> -> memref<1x!tpu.dma_semaphore, #tpu.memory_space<semaphore_mem>>
      %dma_wait3A_75 = tpu.memref_squeeze %dma_wait3A_74 : memref<1x!tpu.dma_semaphore, #tpu.memory_space<semaphore_mem>> -> memref<!tpu.dma_semaphore, #tpu.memory_space<semaphore_mem>>
      tpu.wait_indirect_dma semaphore(%dma_wait3A_75 : memref<!tpu.dma_semaphore, #tpu.memory_space<semaphore_mem>>) src(%dma_wait3A_73 : memref<20480x128xf32, #tpu.memory_space<hbm>>) dst(%dma_wait3A_69 : memref<128x128xf32, #tpu.memory_space<vmem>>)
      %dma_start3A_76 = arith.constant 0 : i32
      %dma_start3A_77 = arith.constant 0 : i32
      %dma_start3A_78 = arith.constant 0 : i32
      %dma_start3A_79 = arith.constant 0 : i32
      %dma_start3A_80 = tpu.memref_slice %arg8[%dma_start3A_76, %dma_start3A_78, %dma_start3A_79] : memref<2x128x128xf32, #tpu.memory_space<vmem>> -> memref<1x128x128xf32, #tpu.memory_space<vmem>>
      %dma_start3A_81 = tpu.memref_squeeze %dma_start3A_80 : memref<1x128x128xf32, #tpu.memory_space<vmem>> -> memref<128x128xf32, #tpu.memory_space<vmem>>
      %dma_start3A_82 = arith.constant 0 : i32
      %dma_start3A_83 = tpu.memref_slice %arg7[%add3A_64, %dma_start3A_82] : memref<40x128xi32, #tpu.memory_space<vmem>> -> memref<1x128xi32, #tpu.memory_space<vmem>>
      %dma_start3A_84 = tpu.memref_squeeze %dma_start3A_83 : memref<1x128xi32, #tpu.memory_space<vmem>> -> memref<128xi32, #tpu.memory_space<vmem>>
      %dma_start3A_85 = arith.constant 0 : i32
      %dma_start3A_86 = arith.constant 0 : i32
      %dma_start3A_87 = tpu.memref_slice %arg9[%dma_start3A_85, %dma_start3A_86] : memref<10240x128xf32, #tpu.memory_space<vmem_shared>> -> memref<10240x128xf32, #tpu.memory_space<vmem_shared>>
      %dma_start3A_88 = tpu.memref_slice %arg11[%dma_start3A_77] : memref<2x!tpu.dma_semaphore, #tpu.memory_space<semaphore_mem>> -> memref<1x!tpu.dma_semaphore, #tpu.memory_space<semaphore_mem>>
      %dma_start3A_89 = tpu.memref_squeeze %dma_start3A_88 : memref<1x!tpu.dma_semaphore, #tpu.memory_space<semaphore_mem>> -> memref<!tpu.dma_semaphore, #tpu.memory_space<semaphore_mem>>
      tpu.enqueue_indirect_dma source(%dma_start3A_81 : memref<128x128xf32, #tpu.memory_space<vmem>>) target(%dma_start3A_87 : memref<10240x128xf32, #tpu.memory_space<vmem_shared>>) offsets(%dma_start3A_84 : memref<128xi32, #tpu.memory_space<vmem>>) semaphore(%dma_start3A_89 : memref<!tpu.dma_semaphore, #tpu.memory_space<semaphore_mem>>) {add = true}
      %mul3A_90 = arith.constant 2 : i32
      %mul3A_91 = arith.muli %scan3A_25, %mul3A_90 : i32
      %add3A_92 = arith.constant 1 : i32
      %add3A_93 = arith.addi %mul3A_91, %add3A_92 : i32
      %dma_wait3A_94 = arith.constant 1 : i32
      %dma_wait3A_95 = arith.constant 1 : i32
      %dma_wait3A_96 = arith.constant 0 : i32
      %dma_wait3A_97 = arith.constant 0 : i32
      %dma_wait3A_98 = tpu.memref_slice %arg8[%dma_wait3A_94, %dma_wait3A_96, %dma_wait3A_97] : memref<2x128x128xf32, #tpu.memory_space<vmem>> -> memref<1x128x128xf32, #tpu.memory_space<vmem>>
      %dma_wait3A_99 = tpu.memref_squeeze %dma_wait3A_98 : memref<1x128x128xf32, #tpu.memory_space<vmem>> -> memref<128x128xf32, #tpu.memory_space<vmem>>
      %dma_wait3A_100 = tpu.memref_slice %arg6[%mul3A_48] : memref<5120xi32, #tpu.memory_space<vmem>> -> memref<128xi32, #tpu.memory_space<vmem>>
      %dma_wait3A_101 = arith.constant 0 : i32
      %dma_wait3A_102 = arith.constant 0 : i32
      %dma_wait3A_103 = tpu.memref_slice %arg2[%dma_wait3A_101, %dma_wait3A_102] : memref<20480x128xf32, #tpu.memory_space<hbm>> -> memref<20480x128xf32, #tpu.memory_space<hbm>>
      %dma_wait3A_104 = tpu.memref_slice %arg10[%dma_wait3A_95] : memref<2x!tpu.dma_semaphore, #tpu.memory_space<semaphore_mem>> -> memref<1x!tpu.dma_semaphore, #tpu.memory_space<semaphore_mem>>
      %dma_wait3A_105 = tpu.memref_squeeze %dma_wait3A_104 : memref<1x!tpu.dma_semaphore, #tpu.memory_space<semaphore_mem>> -> memref<!tpu.dma_semaphore, #tpu.memory_space<semaphore_mem>>
      tpu.wait_indirect_dma semaphore(%dma_wait3A_105 : memref<!tpu.dma_semaphore, #tpu.memory_space<semaphore_mem>>) src(%dma_wait3A_103 : memref<20480x128xf32, #tpu.memory_space<hbm>>) dst(%dma_wait3A_99 : memref<128x128xf32, #tpu.memory_space<vmem>>)
      %dma_start3A_106 = arith.constant 1 : i32
      %dma_start3A_107 = arith.constant 1 : i32
      %dma_start3A_108 = arith.constant 0 : i32
      %dma_start3A_109 = arith.constant 0 : i32
      %dma_start3A_110 = tpu.memref_slice %arg8[%dma_start3A_106, %dma_start3A_108, %dma_start3A_109] : memref<2x128x128xf32, #tpu.memory_space<vmem>> -> memref<1x128x128xf32, #tpu.memory_space<vmem>>
      %dma_start3A_111 = tpu.memref_squeeze %dma_start3A_110 : memref<1x128x128xf32, #tpu.memory_space<vmem>> -> memref<128x128xf32, #tpu.memory_space<vmem>>
      %dma_start3A_112 = arith.constant 0 : i32
      %dma_start3A_113 = tpu.memref_slice %arg7[%add3A_93, %dma_start3A_112] : memref<40x128xi32, #tpu.memory_space<vmem>> -> memref<1x128xi32, #tpu.memory_space<vmem>>
      %dma_start3A_114 = tpu.memref_squeeze %dma_start3A_113 : memref<1x128xi32, #tpu.memory_space<vmem>> -> memref<128xi32, #tpu.memory_space<vmem>>
      %dma_start3A_115 = arith.constant 0 : i32
      %dma_start3A_116 = arith.constant 0 : i32
      %dma_start3A_117 = tpu.memref_slice %arg9[%dma_start3A_115, %dma_start3A_116] : memref<10240x128xf32, #tpu.memory_space<vmem_shared>> -> memref<10240x128xf32, #tpu.memory_space<vmem_shared>>
      %dma_start3A_118 = tpu.memref_slice %arg11[%dma_start3A_107] : memref<2x!tpu.dma_semaphore, #tpu.memory_space<semaphore_mem>> -> memref<1x!tpu.dma_semaphore, #tpu.memory_space<semaphore_mem>>
      %dma_start3A_119 = tpu.memref_squeeze %dma_start3A_118 : memref<1x!tpu.dma_semaphore, #tpu.memory_space<semaphore_mem>> -> memref<!tpu.dma_semaphore, #tpu.memory_space<semaphore_mem>>
      tpu.enqueue_indirect_dma source(%dma_start3A_111 : memref<128x128xf32, #tpu.memory_space<vmem>>) target(%dma_start3A_117 : memref<10240x128xf32, #tpu.memory_space<vmem_shared>>) offsets(%dma_start3A_114 : memref<128xi32, #tpu.memory_space<vmem>>) semaphore(%dma_start3A_119 : memref<!tpu.dma_semaphore, #tpu.memory_space<semaphore_mem>>) {add = true}
      %dma_wait3A_120 = arith.constant 0 : i32
      %dma_wait3A_121 = arith.constant 0 : i32
      %dma_wait3A_122 = arith.constant 0 : i32
      %dma_wait3A_123 = arith.constant 0 : i32
      %dma_wait3A_124 = tpu.memref_slice %arg8[%dma_wait3A_120, %dma_wait3A_122, %dma_wait3A_123] : memref<2x128x128xf32, #tpu.memory_space<vmem>> -> memref<1x128x128xf32, #tpu.memory_space<vmem>>
      %dma_wait3A_125 = tpu.memref_squeeze %dma_wait3A_124 : memref<1x128x128xf32, #tpu.memory_space<vmem>> -> memref<128x128xf32, #tpu.memory_space<vmem>>
      %dma_wait3A_126 = arith.constant 0 : i32
      %dma_wait3A_127 = tpu.memref_slice %arg7[%add3A_64, %dma_wait3A_126] : memref<40x128xi32, #tpu.memory_space<vmem>> -> memref<1x128xi32, #tpu.memory_space<vmem>>
      %dma_wait3A_128 = tpu.memref_squeeze %dma_wait3A_127 : memref<1x128xi32, #tpu.memory_space<vmem>> -> memref<128xi32, #tpu.memory_space<vmem>>
      %dma_wait3A_129 = arith.constant 0 : i32
      %dma_wait3A_130 = arith.constant 0 : i32
      %dma_wait3A_131 = tpu.memref_slice %arg9[%dma_wait3A_129, %dma_wait3A_130] : memref<10240x128xf32, #tpu.memory_space<vmem_shared>> -> memref<10240x128xf32, #tpu.memory_space<vmem_shared>>
      %dma_wait3A_132 = tpu.memref_slice %arg11[%dma_wait3A_121] : memref<2x!tpu.dma_semaphore, #tpu.memory_space<semaphore_mem>> -> memref<1x!tpu.dma_semaphore, #tpu.memory_space<semaphore_mem>>
      %dma_wait3A_133 = tpu.memref_squeeze %dma_wait3A_132 : memref<1x!tpu.dma_semaphore, #tpu.memory_space<semaphore_mem>> -> memref<!tpu.dma_semaphore, #tpu.memory_space<semaphore_mem>>
      tpu.wait_indirect_dma semaphore(%dma_wait3A_133 : memref<!tpu.dma_semaphore, #tpu.memory_space<semaphore_mem>>) src(%dma_wait3A_125 : memref<128x128xf32, #tpu.memory_space<vmem>>) dst(%dma_wait3A_131 : memref<10240x128xf32, #tpu.memory_space<vmem_shared>>)
      %dma_wait3A_134 = arith.constant 1 : i32
      %dma_wait3A_135 = arith.constant 1 : i32
      %dma_wait3A_136 = arith.constant 0 : i32
      %dma_wait3A_137 = arith.constant 0 : i32
      %dma_wait3A_138 = tpu.memref_slice %arg8[%dma_wait3A_134, %dma_wait3A_136, %dma_wait3A_137] : memref<2x128x128xf32, #tpu.memory_space<vmem>> -> memref<1x128x128xf32, #tpu.memory_space<vmem>>
      %dma_wait3A_139 = tpu.memref_squeeze %dma_wait3A_138 : memref<1x128x128xf32, #tpu.memory_space<vmem>> -> memref<128x128xf32, #tpu.memory_space<vmem>>
      %dma_wait3A_140 = arith.constant 0 : i32
      %dma_wait3A_141 = tpu.memref_slice %arg7[%add3A_93, %dma_wait3A_140] : memref<40x128xi32, #tpu.memory_space<vmem>> -> memref<1x128xi32, #tpu.memory_space<vmem>>
      %dma_wait3A_142 = tpu.memref_squeeze %dma_wait3A_141 : memref<1x128xi32, #tpu.memory_space<vmem>> -> memref<128xi32, #tpu.memory_space<vmem>>
      %dma_wait3A_143 = arith.constant 0 : i32
      %dma_wait3A_144 = arith.constant 0 : i32
      %dma_wait3A_145 = tpu.memref_slice %arg9[%dma_wait3A_143, %dma_wait3A_144] : memref<10240x128xf32, #tpu.memory_space<vmem_shared>> -> memref<10240x128xf32, #tpu.memory_space<vmem_shared>>
      %dma_wait3A_146 = tpu.memref_slice %arg11[%dma_wait3A_135] : memref<2x!tpu.dma_semaphore, #tpu.memory_space<semaphore_mem>> -> memref<1x!tpu.dma_semaphore, #tpu.memory_space<semaphore_mem>>
      %dma_wait3A_147 = tpu.memref_squeeze %dma_wait3A_146 : memref<1x!tpu.dma_semaphore, #tpu.memory_space<semaphore_mem>> -> memref<!tpu.dma_semaphore, #tpu.memory_space<semaphore_mem>>
      tpu.wait_indirect_dma semaphore(%dma_wait3A_147 : memref<!tpu.dma_semaphore, #tpu.memory_space<semaphore_mem>>) src(%dma_wait3A_139 : memref<128x128xf32, #tpu.memory_space<vmem>>) dst(%dma_wait3A_145 : memref<10240x128xf32, #tpu.memory_space<vmem_shared>>)
    }
    %scan3A_18 = arith.constant 20 : i32
    %barrier3A_19 = arith.constant 0 : index
    tpu.barrier barrier_id(%barrier3A_19)
    %mul3A_20 = arith.constant 640 : i32
    %mul3A_21 = arith.muli %arg1, %mul3A_20 : i32
    %mul3A_22 = arith.constant 640 : i32
    %mul3A_23 = arith.muli %arg1, %mul3A_22 : i32
    %add3A_24 = arith.addi %mul3A_2, %mul3A_23 : i32
    "tpu.region"() ({
      %run_scoped3A = tpu.sem_alloc : memref<!tpu.dma_semaphore, #tpu.memory_space<semaphore_mem>>
      %dma_start3A = arith.constant 0 : i32
      %dma_start3A_25 = tpu.memref_slice %arg5[%add3A_24, %dma_start3A] : memref<20480x128xf32, #tpu.memory_space<hbm>> -> memref<640x128xf32, #tpu.memory_space<hbm>>
      %dma_start3A_26 = arith.constant 0 : i32
      %dma_start3A_27 = tpu.memref_slice %arg9[%mul3A_21, %dma_start3A_26] : memref<10240x128xf32, #tpu.memory_space<vmem_shared>> -> memref<640x128xf32, #tpu.memory_space<vmem_shared>>
      tpu.enqueue_dma source(%dma_start3A_27 : memref<640x128xf32, #tpu.memory_space<vmem_shared>>) target(%dma_start3A_25 : memref<640x128xf32, #tpu.memory_space<hbm>>) target_semaphore(%run_scoped3A : memref<!tpu.dma_semaphore, #tpu.memory_space<semaphore_mem>>)
      %dma_wait3A = arith.constant 0 : i32
      %dma_wait3A_28 = tpu.memref_slice %arg5[%add3A_24, %dma_wait3A] : memref<20480x128xf32, #tpu.memory_space<hbm>> -> memref<640x128xf32, #tpu.memory_space<hbm>>
      %dma_wait3A_29 = arith.constant 0 : i32
      %dma_wait3A_30 = tpu.memref_slice %arg9[%mul3A_21, %dma_wait3A_29] : memref<10240x128xf32, #tpu.memory_space<vmem_shared>> -> memref<640x128xf32, #tpu.memory_space<vmem_shared>>
      tpu.wait_dma2 semaphore(%run_scoped3A : memref<!tpu.dma_semaphore, #tpu.memory_space<semaphore_mem>>) src(%dma_wait3A_30 : memref<640x128xf32, #tpu.memory_space<vmem_shared>>) dst(%dma_wait3A_28 : memref<640x128xf32, #tpu.memory_space<hbm>>)
      tpu.yield
    }) : () -> ()
    return
  }
}

module attributes {stable_mosaic.version = 14 : i64} {
  func.func @_mm1_body(%arg0: i32, %arg1: i32, %arg2: memref<1280x256xf32, #tpu.memory_space<vmem>>, %arg3: memref<1280x16xf32, #tpu.memory_space<vmem>>, %arg4: memref<256x128xf32, #tpu.memory_space<vmem>>, %arg5: memref<1280x128xf32, #tpu.memory_space<vmem>>) attributes {dimension_semantics = [#tpu.dimension_semantics<arbitrary>, #tpu.dimension_semantics<arbitrary>], iteration_bounds = array<i64: 8, 2>, scalar_prefetch = 0 : i64, scratch_operands = 0 : i64, tpu.core_type = #tpu.core_type<tc>, window_params = [{transform_indices = @transform_0, window_bounds = array<i64: 1280, 256>}, {transform_indices = @transform_1, window_bounds = array<i64: 1280, 16>}, {transform_indices = @transform_2, window_bounds = array<i64: 256, 128>}, {transform_indices = @transform_3, window_bounds = array<i64: 1280, 128>}]} {
    %get3A = arith.constant 0 : index
    %get3A_0 = arith.constant 0 : index
    %get3A_1 = vector.load %arg3[%get3A, %get3A_0] : memref<1280x16xf32, #tpu.memory_space<vmem>>, vector<1280x1xf32>
    %rsqrt3A = math.rsqrt %get3A_1 : vector<1280x1xf32>
    %get3A_2 = arith.constant 0 : index
    %get3A_3 = arith.constant 0 : index
    %get3A_4 = vector.load %arg2[%get3A_2, %get3A_3] : memref<1280x256xf32, #tpu.memory_space<vmem>>, vector<1280x256xf32>
    %mul3A = vector.broadcast %rsqrt3A : vector<1280x1xf32> to vector<1280x256xf32>
    %mul3A_5 = arith.mulf %get3A_4, %mul3A : vector<1280x256xf32>
    %get3A_6 = arith.constant 0 : index
    %get3A_7 = arith.constant 0 : index
    %get3A_8 = vector.load %arg4[%get3A_6, %get3A_7] : memref<256x128xf32, #tpu.memory_space<vmem>>, vector<256x128xf32>
    %dot_general3A = arith.constant dense<0.000000e+00> : vector<1280x128xf32>
    %dot_general3A_9 = tpu.matmul %mul3A_5, %get3A_8, %dot_general3A {dimension_numbers = #tpu.dot_dimension_numbers<[1], [0], [0], [1], [0, 0, 1, 1], [], []>, transpose_lhs_hint = false} : vector<1280x256xf32>, vector<256x128xf32>, vector<1280x128xf32> -> vector<1280x128xf32>
    %swap3A = arith.constant 0 : index
    %swap3A_10 = arith.constant 0 : index
    %swap3A_11 = vector.load %arg5[%swap3A, %swap3A_10] : memref<1280x128xf32, #tpu.memory_space<vmem>>, vector<1280x128xf32>
    tpu.vector_store %arg5[%swap3A, %swap3A_10], %dot_general3A_9 {strides = array<i32>} : memref<1280x128xf32, #tpu.memory_space<vmem>>, vector<1280x128xf32>,
    return
  }
  func.func @transform_0(%arg0: i32, %arg1: i32) -> (i32, i32) {
    %c0_i32 = arith.constant 0 : i32
    %c0_i32_0 = arith.constant 0 : i32
    return %arg0, %c0_i32 : i32, i32
  }
  func.func @transform_1(%arg0: i32, %arg1: i32) -> (i32, i32) {
    %c0_i32 = arith.constant 0 : i32
    %c0_i32_0 = arith.constant 0 : i32
    return %arg0, %c0_i32 : i32, i32
  }
  func.func @transform_2(%arg0: i32, %arg1: i32) -> (i32, i32) {
    %c0_i32 = arith.constant 0 : i32
    %c0_i32_0 = arith.constant 0 : i32
    return %c0_i32, %arg1 : i32, i32
  }
  func.func @transform_3(%arg0: i32, %arg1: i32) -> (i32, i32) {
    %mul3A = arith.constant 8 : i32
    %mul3A_0 = arith.muli %arg1, %mul3A : i32
    %add3A = arith.addi %mul3A_0, %arg0 : i32
    %c0_i32 = arith.constant 0 : i32
    %c0_i32_1 = arith.constant 0 : i32
    return %add3A, %c0_i32 : i32, i32
  }
}

module attributes {stable_mosaic.version = 14 : i64} {
  func.func @_mm2_body(%arg0: i32, %arg1: i32, %arg2: memref<1280x128xf32, #tpu.memory_space<vmem>>, %arg3: memref<1280x128xf32, #tpu.memory_space<vmem>>, %arg4: memref<1280x16xf32, #tpu.memory_space<vmem>>, %arg5: memref<1x256xf32, #tpu.memory_space<vmem>>, %arg6: memref<256x128xf32, #tpu.memory_space<vmem>>, %arg7: memref<1280x128xf32, #tpu.memory_space<vmem>>) attributes {dimension_semantics = [#tpu.dimension_semantics<arbitrary>, #tpu.dimension_semantics<arbitrary>], iteration_bounds = array<i64: 8, 2>, scalar_prefetch = 0 : i64, scratch_operands = 0 : i64, tpu.core_type = #tpu.core_type<tc>, window_params = [{transform_indices = @transform_0, window_bounds = array<i64: 1280, 128>}, {transform_indices = @transform_1, window_bounds = array<i64: 1280, 128>}, {transform_indices = @transform_2, window_bounds = array<i64: 1280, 16>}, {pipeline_mode = #tpu.pipeline_mode<synchronous>, transform_indices = @transform_3, window_bounds = array<i64: 1, 256>}, {transform_indices = @transform_4, window_bounds = array<i64: 256, 128>}, {transform_indices = @transform_5, window_bounds = array<i64: 1280, 128>}]} {
    %get3A = arith.constant 0 : index
    %get3A_0 = arith.constant 0 : index
    %get3A_1 = vector.load %arg4[%get3A, %get3A_0] : memref<1280x16xf32, #tpu.memory_space<vmem>>, vector<1280x1xf32>
    %rsqrt3A = math.rsqrt %get3A_1 : vector<1280x1xf32>
    %get3A_2 = arith.constant 0 : index
    %get3A_3 = arith.constant 0 : index
    %get3A_4 = vector.load %arg2[%get3A_2, %get3A_3] : memref<1280x128xf32, #tpu.memory_space<vmem>>, vector<1280x128xf32>
    %get3A_5 = arith.constant 0 : index
    %get3A_6 = arith.constant 0 : index
    %get3A_7 = vector.load %arg3[%get3A_5, %get3A_6] : memref<1280x128xf32, #tpu.memory_space<vmem>>, vector<1280x128xf32>
    %concatenate3A = tpu.concatenate %get3A_4, %get3A_7 in 1 : vector<1280x128xf32>, vector<1280x128xf32> -> vector<1280x256xf32>
    %mul3A = vector.broadcast %rsqrt3A : vector<1280x1xf32> to vector<1280x256xf32>
    %mul3A_8 = arith.mulf %concatenate3A, %mul3A : vector<1280x256xf32>
    %get3A_9 = arith.constant 0 : index
    %get3A_10 = arith.constant 0 : index
    %get3A_11 = vector.load %arg5[%get3A_9, %get3A_10] : memref<1x256xf32, #tpu.memory_space<vmem>>, vector<1x256xf32>
    %add3A = vector.broadcast %get3A_11 : vector<1x256xf32> to vector<1280x256xf32>
    %add3A_12 = arith.addf %mul3A_8, %add3A : vector<1280x256xf32>
    %max3A = arith.constant 0.000000e+00 : f32
    %max3A_13 = vector.broadcast %max3A : f32 to vector<1280x256xf32>
    %max3A_14 = arith.maximumf %add3A_12, %max3A_13 : vector<1280x256xf32>
    %mul3A_15 = vector.broadcast %rsqrt3A : vector<1280x1xf32> to vector<1280x256xf32>
    %mul3A_16 = arith.mulf %max3A_14, %mul3A_15 : vector<1280x256xf32>
    %get3A_17 = arith.constant 0 : index
    %get3A_18 = arith.constant 0 : index
    %get3A_19 = vector.load %arg6[%get3A_17, %get3A_18] : memref<256x128xf32, #tpu.memory_space<vmem>>, vector<256x128xf32>
    %dot_general3A = arith.constant dense<0.000000e+00> : vector<1280x128xf32>
    %dot_general3A_20 = tpu.matmul %mul3A_16, %get3A_19, %dot_general3A {dimension_numbers = #tpu.dot_dimension_numbers<[1], [0], [0], [1], [0, 0, 1, 1], [], []>, transpose_lhs_hint = false} : vector<1280x256xf32>, vector<256x128xf32>, vector<1280x128xf32> -> vector<1280x128xf32>
    %swap3A = arith.constant 0 : index
    %swap3A_21 = arith.constant 0 : index
    %swap3A_22 = vector.load %arg7[%swap3A, %swap3A_21] : memref<1280x128xf32, #tpu.memory_space<vmem>>, vector<1280x128xf32>
    tpu.vector_store %arg7[%swap3A, %swap3A_21], %dot_general3A_20 {strides = array<i32>} : memref<1280x128xf32, #tpu.memory_space<vmem>>, vector<1280x128xf32>,
    return
  }
  func.func @transform_0(%arg0: i32, %arg1: i32) -> (i32, i32) {
    %c0_i32 = arith.constant 0 : i32
    %c0_i32_0 = arith.constant 0 : i32
    return %arg0, %c0_i32 : i32, i32
  }
  func.func @transform_1(%arg0: i32, %arg1: i32) -> (i32, i32) {
    %add3A = arith.constant 8 : i32
    %add3A_0 = arith.addi %arg0, %add3A : i32
    %c0_i32 = arith.constant 0 : i32
    %c0_i32_1 = arith.constant 0 : i32
    return %add3A_0, %c0_i32 : i32, i32
  }
  func.func @transform_2(%arg0: i32, %arg1: i32) -> (i32, i32) {
    %c0_i32 = arith.constant 0 : i32
    %c0_i32_0 = arith.constant 0 : i32
    return %arg0, %c0_i32 : i32, i32
  }
  func.func @transform_3(%arg0: i32, %arg1: i32) -> (i32, i32) {
    %c0_i32 = arith.constant 0 : i32
    %c0_i32_0 = arith.constant 0 : i32
    %c0_i32_1 = arith.constant 0 : i32
    return %c0_i32, %c0_i32_0 : i32, i32
  }
  func.func @transform_4(%arg0: i32, %arg1: i32) -> (i32, i32) {
    %c0_i32 = arith.constant 0 : i32
    %c0_i32_0 = arith.constant 0 : i32
    return %c0_i32, %arg1 : i32, i32
  }
  func.func @transform_5(%arg0: i32, %arg1: i32) -> (i32, i32) {
    %mul3A = arith.constant 8 : i32
    %mul3A_0 = arith.muli %arg1, %mul3A : i32
    %add3A = arith.addi %mul3A_0, %arg0 : i32
    %c0_i32 = arith.constant 0 : i32
    %c0_i32_1 = arith.constant 0 : i32
    return %add3A, %c0_i32 : i32, i32
  }
}

module attributes {stable_mosaic.version = 14 : i64} {
  func.func @_fin_body(%arg0: i32, %arg1: memref<1280x128xf32, #tpu.memory_space<vmem>>, %arg2: memref<1280x128xf32, #tpu.memory_space<vmem>>, %arg3: memref<1280x16xf32, #tpu.memory_space<vmem>>, %arg4: memref<1x256xf32, #tpu.memory_space<vmem>>, %arg5: memref<1280x256xf32, #tpu.memory_space<vmem>>) attributes {dimension_semantics = [#tpu.dimension_semantics<arbitrary>], iteration_bounds = array<i64: 8>, scalar_prefetch = 0 : i64, scratch_operands = 0 : i64, tpu.core_type = #tpu.core_type<tc>, window_params = [{transform_indices = @transform_0, window_bounds = array<i64: 1280, 128>}, {transform_indices = @transform_1, window_bounds = array<i64: 1280, 128>}, {transform_indices = @transform_2, window_bounds = array<i64: 1280, 16>}, {pipeline_mode = #tpu.pipeline_mode<synchronous>, transform_indices = @transform_3, window_bounds = array<i64: 1, 256>}, {transform_indices = @transform_4, window_bounds = array<i64: 1280, 256>}]} {
    %get3A = arith.constant 0 : index
    %get3A_0 = arith.constant 0 : index
    %get3A_1 = vector.load %arg3[%get3A, %get3A_0] : memref<1280x16xf32, #tpu.memory_space<vmem>>, vector<1280x1xf32>
    %rsqrt3A = math.rsqrt %get3A_1 : vector<1280x1xf32>
    %get3A_2 = arith.constant 0 : index
    %get3A_3 = arith.constant 0 : index
    %get3A_4 = vector.load %arg1[%get3A_2, %get3A_3] : memref<1280x128xf32, #tpu.memory_space<vmem>>, vector<1280x128xf32>
    %get3A_5 = arith.constant 0 : index
    %get3A_6 = arith.constant 0 : index
    %get3A_7 = vector.load %arg2[%get3A_5, %get3A_6] : memref<1280x128xf32, #tpu.memory_space<vmem>>, vector<1280x128xf32>
    %concatenate3A = tpu.concatenate %get3A_4, %get3A_7 in 1 : vector<1280x128xf32>, vector<1280x128xf32> -> vector<1280x256xf32>
    %mul3A = vector.broadcast %rsqrt3A : vector<1280x1xf32> to vector<1280x256xf32>
    %mul3A_8 = arith.mulf %concatenate3A, %mul3A : vector<1280x256xf32>
    %get3A_9 = arith.constant 0 : index
    %get3A_10 = arith.constant 0 : index
    %get3A_11 = vector.load %arg4[%get3A_9, %get3A_10] : memref<1x256xf32, #tpu.memory_space<vmem>>, vector<1x256xf32>
    %add3A = vector.broadcast %get3A_11 : vector<1x256xf32> to vector<1280x256xf32>
    %add3A_12 = arith.addf %mul3A_8, %add3A : vector<1280x256xf32>
    %reduce_max3A = arith.constant dense<0xFF800000> : vector<1280xf32>
    %reduce_max3A_13 = vector.multi_reduction <maximumf>, %add3A_12, %reduce_max3A [1] : vector<1280x256xf32> to vector<1280xf32>
    %broadcast_in_dim3A = vector.shape_cast %reduce_max3A_13 : vector<1280xf32> to vector<1280x1xf32>
    %sub3A = vector.broadcast %broadcast_in_dim3A : vector<1280x1xf32> to vector<1280x256xf32>
    %sub3A_14 = arith.subf %add3A_12, %sub3A : vector<1280x256xf32>
    %exp3A = math.exp %sub3A_14 : vector<1280x256xf32>
    %reduce_sum3A = arith.constant dense<0.000000e+00> : vector<1280xf32>
    %reduce_sum3A_15 = vector.multi_reduction <add>, %exp3A, %reduce_sum3A [1] : vector<1280x256xf32> to vector<1280xf32>
    %broadcast_in_dim3A_16 = vector.shape_cast %reduce_sum3A_15 : vector<1280xf32> to vector<1280x1xf32>
    %div3A = vector.broadcast %broadcast_in_dim3A_16 : vector<1280x1xf32> to vector<1280x256xf32>
    %div3A_17 = arith.divf %exp3A, %div3A : vector<1280x256xf32>
    %swap3A = arith.constant 0 : index
    %swap3A_18 = arith.constant 0 : index
    %swap3A_19 = vector.load %arg5[%swap3A, %swap3A_18] : memref<1280x256xf32, #tpu.memory_space<vmem>>, vector<1280x256xf32>
    tpu.vector_store %arg5[%swap3A, %swap3A_18], %div3A_17 {strides = array<i32>} : memref<1280x256xf32, #tpu.memory_space<vmem>>, vector<1280x256xf32>,
    return
  }
  func.func @transform_0(%arg0: i32) -> (i32, i32) {
    %c0_i32 = arith.constant 0 : i32
    %c0_i32_0 = arith.constant 0 : i32
    return %arg0, %c0_i32 : i32, i32
  }
  func.func @transform_1(%arg0: i32) -> (i32, i32) {
    %add3A = arith.constant 8 : i32
    %add3A_0 = arith.addi %arg0, %add3A : i32
    %c0_i32 = arith.constant 0 : i32
    %c0_i32_1 = arith.constant 0 : i32
    return %add3A_0, %c0_i32 : i32, i32
  }
  func.func @transform_2(%arg0: i32) -> (i32, i32) {
    %c0_i32 = arith.constant 0 : i32
    %c0_i32_0 = arith.constant 0 : i32
    return %arg0, %c0_i32 : i32, i32
  }
  func.func @transform_3(%arg0: i32) -> (i32, i32) {
    %c0_i32 = arith.constant 0 : i32
    %c0_i32_0 = arith.constant 0 : i32
    %c0_i32_1 = arith.constant 0 : i32
    return %c0_i32, %c0_i32_0 : i32, i32
  }
  func.func @transform_4(%arg0: i32) -> (i32, i32) {
    %c0_i32 = arith.constant 0 : i32
    %c0_i32_0 = arith.constant 0 : i32
    return %arg0, %c0_i32 : i32, i32
  }
}

</mosaic_0001>

<sc_bundles>
// kernel: kernel.11.cloned.1.call-start
scs
__scs_entry_jumppad:
0x0: {  	(pc) =	sbr.rel $0x88, $3  }
0x1: {  	(tag) =	ssettag $0x0;
	lr =	simm.s32 $0x1  }
0x2: {  	[smem:$0x3F9B] =	sst lr;
	_ =	strace $0xD0000000  }
0x3: {  	_ = 	snop  }
0x4: {  	_ = 	snop  }
0x5: {  	_ = 	snop  }
0x6: {  	_ = 	snop  }
0x7: {  	_ = 	snop  }
__scs_overlays_trampoline_lowered:
0x8: {  	[smem:$0x3FAA] =	sst s0  }
0x9: {  	[smem:$0x3FAB] =	sst s1  }
0xa: {  	[smem:$0x3FAC] =	sst s2  }
0xb: {  	[smem:$0x3FAD] =	sst s3  }
0xc: {  	[smem:$0x3FAE] =	sst s4  }
0xd: {  	[smem:$0x3FAF] =	sst s5  }
0xe: {  	[smem:$0x3FB0] =	sst s6  }
0xf: {  	[smem:$0x3FB1] =	sst s7  }
0x10: {  	[smem:$0x3FB2] =	sst s8  }
0x11: {  	[smem:$0x3FB3] =	sst s9;
	s0 =	simm.s32 @!p0 $0x0  }
0x12: {  	s1 =	sld [smem:$0x3F99];
	s0 =	simm.s32 @p0 $0x1  }
0x13: {  	[smem:$0x3FB4] =	sst s0;
	s0 =	simm.s32 @!p1 $0x0  }
0x14: {  	s2 =	sld [smem:$0x3F98];
	s0 =	simm.s32 @p1 $0x1  }
0x15: {  	[smem:$0x3FB5] =	sst s0;
	s0 =	simm.s32 @!p2 $0x0  }
0x16: {  	s3 =	sld [smem:$0x3FDB];
	s0 =	simm.s32 @p2 $0x1  }
0x17: {  	s4 =	simm.s32 $0x1BF5;
	[smem:$0x3FB7] =	sst s0  }
0x18: {  	s0 =	sld [smem:$0x3F9A];
	_ =	swait.ge [sflag:s4], $0x0  }
0x19: {  	s7 =	sld [smem:$0x3F9B]  }
0x1a: {  	s8 =	sadd.s32 $0xFFFFE003, lr  }
0x1b: {  	s9 =	sadd.s32 $0xFFFFFEF7, lr;
	s5 =	simm.s32 $0xFFFFFFFF;
	p2 =	slt.u32 s8, $0xFFFFF086  }
0x1c: {  	p1 =	slt.u32 s9, $0xF7A;
	s5 =	simm.s32 @!p2 $0x0  }
0x1d: {  	s5 =	simm.s32 @p1 $0x1;
	p0 =	seq.s32 s7, s2  }
0x1e: {  	s7 =	smul.u32 @!p0 $0xF7A, s2;
	p2 =	seq.s32 @!p0 s5, $0x0  }
0x1f: {  	s9 =	smul.u32 $0xF7A, s1;
	s8 =	simm.s32 @!p0 $0x1BF5;
	p2 =	por !p2, p0  }
0x20: {  	[sflag:s8] =	ssyncset.s32 @!p0 $0xFFFFF086;
	s6 =	sadd.s32 @!p0 s3, s7;
	s7 =	simm.s32 @!p0 $0x108  }
0x21: {  	s3 =	sadd.s32 s3, s9;
	s6 =	sadd.s32 @!p0 $0x88, s6;
	s7 =	simm.s32 @p2 $0x1082  }
0x22: {  	[simem:s7], [sflag:s8] =	dma.local @!p0 [hbm:s6], $0xF7A  }
0x23: {  	s9 =	sor.u32 $0xD0000000, s2;
	s6 =	simm.s32 $0x108;
	_ =	swait.ge @!p0 [sflag:s8], $0x0  }
0x24: {  	s3 =	sadd.s32 $0x88, s3;
	s6 =	simm.s32 @!p1 $0x1082;
	[sflag:s4] =	ssyncset.s32 $0xFFFFF086  }
0x25: {  	[simem:s6], [sflag:s4] =	dma.local [hbm:s3], $0xF7A  }
0x26: {  	[smem:$0x3F9B] =	sst s1;
	(tag) =	ssettag s2;
	_ =	strace s9  }
0x27: {  	s1 =	sld [smem:$0x3FAB]  }
0x28: {  	s2 =	sld [smem:$0x3FAC]  }
0x29: {  	s4 =	sld [smem:$0x3FAE]  }
0x2a: {  	p0 =	seq.s32 s5, $0x0;
	s5 =	sld [smem:$0x3FAF]  }
0x2b: {  	s6 =	sld [smem:$0x3FB0]  }
0x2c: {  	s7 =	sld [smem:$0x3FB1]  }
0x2d: {  	s3 =	simm.s32 $0x108;
	s8 =	sld [smem:$0x3FB2]  }
0x2e: {  	s3 =	simm.s32 @!p0 $0x1082;
	s9 =	sld [smem:$0x3FB3]  }
0x2f: {  	lr =	sadd.s32 s0, s3;
	s0 =	sld [smem:$0x3FAA]  }
0x30: {  	s3 =	sld [smem:$0x3FAD]  }
0x31: {  	[smem:$0x3FB6] =	sst s10  }
0x32: {  	s10 =	sld [smem:$0x3FB4];
	_ =	sdelay $0x3  }
0x33: {  	p0 =	seq.s32 s10, $0x1;
	s10 =	sld [smem:$0x3FB6];
	_ =	sdelay $0x3  }
0x34: {  	[smem:$0x3FB6] =	sst s10  }
0x35: {  	s10 =	sld [smem:$0x3FB5];
	_ =	sdelay $0x3  }
0x36: {  	p1 =	seq.s32 s10, $0x1;
	s10 =	sld [smem:$0x3FB6];
	_ =	sdelay $0x3  }
0x37: {  	[smem:$0x3FB6] =	sst s10  }
0x38: {  	s10 =	sld [smem:$0x3FB7]  }
0x39: {  	_ = 	snop;
	(pc) =	sbr.ind lr, $3  }
0x3a: {  	_ = 	snop  }
0x3b: {  	_ = 	snop  }
0x3c: {  	p2 =	seq.s32 s10, $0x1;
	s10 =	sld [smem:$0x3FB6]  }
0x3d: {  	_ =	shalt  }
0x3e: {  	_ =	shalt  }
0x3f: {  	_ =	shalt  }
0x40: {  	_ =	shalt  }
0x41: {  	_ =	shalt  }
0x42: {  	_ =	shalt  }
0x43: {  	_ =	shalt  }
0x44: {  	_ =	shalt  }
0x45: {  	_ =	shalt  }
0x46: {  	_ =	shalt  }
0x47: {  	_ =	shalt  }
0x48: {  	_ =	shalt  }
0x49: {  	_ =	shalt  }
0x4a: {  	_ =	shalt  }
0x4b: {  	_ =	shalt  }
0x4c: {  	_ =	shalt  }
0x4d: {  	_ =	shalt  }
0x4e: {  	_ =	shalt  }
0x4f: {  	_ =	shalt  }
0x50: {  	_ =	shalt  }
0x51: {  	_ =	shalt  }
0x52: {  	_ =	shalt  }
0x53: {  	_ =	shalt  }
0x54: {  	_ =	shalt  }
0x55: {  	_ =	shalt  }
0x56: {  	_ =	shalt  }
0x57: {  	_ =	shalt  }
0x58: {  	_ =	shalt  }
0x59: {  	_ =	shalt  }
0x5a: {  	_ =	shalt  }
0x5b: {  	_ =	shalt  }
0x5c: {  	_ =	shalt  }
0x5d: {  	_ =	shalt  }
0x5e: {  	_ =	shalt  }
0x5f: {  	_ =	shalt  }
0x60: {  	_ =	shalt  }
0x61: {  	_ =	shalt  }
0x62: {  	_ =	shalt  }
0x63: {  	_ =	shalt  }
0x64: {  	_ =	shalt  }
0x65: {  	_ =	shalt  }
0x66: {  	_ =	shalt  }
0x67: {  	_ =	shalt  }
0x68: {  	_ =	shalt  }
0x69: {  	_ =	shalt  }
0x6a: {  	_ =	shalt  }
0x6b: {  	_ =	shalt  }
0x6c: {  	_ =	shalt  }
0x6d: {  	_ =	shalt  }
0x6e: {  	_ =	shalt  }
0x6f: {  	_ =	shalt  }
0x70: {  	_ =	shalt  }
0x71: {  	_ =	shalt  }
0x72: {  	_ =	shalt  }
0x73: {  	_ =	shalt  }
0x74: {  	_ =	shalt  }
0x75: {  	_ =	shalt  }
0x76: {  	_ =	shalt  }
0x77: {  	_ =	shalt  }
0x78: {  	_ =	shalt  }
0x79: {  	_ =	shalt  }
0x7a: {  	_ =	shalt  }
0x7b: {  	_ =	shalt  }
0x7c: {  	_ =	shalt  }
0x7d: {  	_ =	shalt  }
0x7e: {  	_ =	shalt  }
0x7f: {  	_ =	shalt  }
0x80: {  	_ =	shalt  }
0x81: {  	_ =	shalt  }
0x82: {  	_ =	shalt  }
0x83: {  	_ =	shalt  }
0x84: {  	_ =	shalt  }
0x85: {  	_ =	shalt  }
0x86: {  	_ =	shalt  }
0x87: {  	_ =	shalt  }
.Lfunc_end0:
.L_simem_size_0:
called_computation.1_lowered:
.L_overlay_start_0:
0x88: {  	s2 =	sld [smem:$0x3FD9]  }
0x89: {  	s3 =	sld [smem:$0x3FFE];
	_ =	sdelay $0x1  }
0x8a: {  	s1 =	srdreg.scid  }
0x8b: {  	s0 =	sand.u32 $0x1, s1  }
0x8c: {  	s16 =	sshll.u32 s0, $0xA;
	s2 =	sadd.s32 s3, s2  }
0x8d: {  	s2 =	sadd.s32 s2, s16  }
0x8e: {  	[smem:$0x3FC2] =	sst s2  }
0x8f: {  	_ = 	snop  }
0x90: {  	(tm) =	ssettm $0x1  }
0x91: {  	s17 =	sld [smem:$0x3FFB];
	_ =	sdelay $0x3  }
0x92: {  	_ =	strace s17  }
0x93: {  	s2 =	sld [smem:$0x3FFC];
	_ =	sdelay $0x3  }
0x94: {  	_ =	strace s2  }
0x95: {  	s2 =	sld [smem:$0x3FFD];
	_ =	sdelay $0x3  }
0x96: {  	_ =	strace s2  }
0x97: {  	_ =	strace $0x8FFFFFFF  }
0x98: {  	s18 =	sld [smem:$0x3FDB];
	_ =	sdelay $0x1  }
0x99: {  	s19 =	simm.s32 $_scs_section_size  }
0x9a: {  	s4 =	simm.s32 $_size__tile_overlayer_lowered;
	s5 =	simm.s32 $_tile_overlayer_lowered  }
0x9b: {  	s22 =	simm.s32 $0x1BFF;
	s21 =	sshll.u32 s5, $0x1;
	s2 =	sadd.s32 s19, s18  }
0x9c: {  	s6 =	simm.s32 $0x0;
	s20 =	sshll.u32 s4, $0x1;
	s4 =	sadd.s32 s21, s2  }
0x9d: {  	[timem:s6], [sflag:s22] =	dma.local [hbm:s4], s20  }
0x9e: {  	_ =	swait.ge [sflag:s22], s20  }
0x9f: {  	s3 =	ssub.s32 $0x0, s20;
	[sflag:s22] =	ssyncset.done $0x0  }
0xa0: {  	[sflag:s22] =	ssyncadd.s32 s3;
	_ =	sdelay $0x1  }
0xa1: {  	s23 =	simm.s32 $0x1B8B  }
0xa2: {  	_ =	swait.ge [sflag:s23], $0x1  }
0xa3: {  	[sflag:s23] =	ssyncset.done $0x0  }
0xa4: {  	s25 =	simm.s32 $0x1B8E;
	s24 =	sld [smem:$0x3FFE];
	[sflag:s23] =	ssyncadd.s32 $0xFFFFFFFF  }
0xa5: {  	s26 =	simm.s32 $execute0_lowered;
	[smem:$0x3FD2] =	sst s25  }
0xa6: {  	s4 =	sshll.u32 s26, $0x1;
	_ =	strace $0x80000049;
	[dreg:$0x1] =	wrdreg $0xFFFFFFFF  }
0xa7: {  	s28 =	simm.s32 $_size_execute0_lowered;
	s2 =	sadd.s32 s2, s4;
	[dreg:$0x0] =	wrdreg $0x0  }
0xa8: {  	s4 =	sshll.u32 s28, $0x1;
	[dreg:$0x2] =	wrdreg s2  }
0xa9: {  	[dreg:$0x3] =	wrdreg s4  }
0xaa: {  	[dreg:$0x4] =	wrdreg $0xC0  }
0xab: {  	_ =	task [dreg:s6], $0x5FFFF  }
0xac: {  	[dreg:$0x1] =	wrdreg $0xFFFFFFFF  }
0xad: {  	[dreg:$0x0] =	wrdreg $0x60  }
0xae: {  	[dreg:$0x2] =	wrdreg s24  }
0xaf: {  	[dreg:$0x3] =	wrdreg $0xA8000  }
0xb0: {  	[dreg:$0x4] =	wrdreg $0x9  }
0xb1: {  	_ =	task.clear_ibuf [dreg:s6], $0x5FFFF;
	_ =	strace $0x90000049  }
0xb2: {  	s29 =	simm.s32 $0x9;
	_ =	strace $0x8000004B  }
0xb3: {  	_ =	swait.ge [sflag:s29], $0x1  }
0xb4: {  	[sflag:s29] =	ssyncadd.s32 $0xFFFFFFFF  }
0xb5: {  	_ =	strace $0x9000004B  }
0xb6: {  	_ =	sfence  }
0xb7: {  	s30 =	sld [smem:$0x0];
	_ =	sdelay $0x2  }
0xb8: {  	s31 =	sshll.u32 s1, $0xD;
	s1 =	sshrl.u32 s1, $0x2  }
0xb9: {  	s3 =	sand.u32 $0x4000, s31;
	s1 =	sadd.s32 s1, s30  }
0xba: {  	s0 =	sor.u32 s3, s0;
	s1 =	sshll.u32 s1, $0x11  }
0xbb: {  	s0 =	sor.u32 s1, s0  }
0xbc: {  	s0 =	sadd.s32 $0x8F2B, s0  }
0xbd: {  	[sflag:s0] =	ssyncadd.remote.s32 $0x1  }
0xbe: {  	_ =	sfence.sel $0xFFFF  }
0xbf: {  	[dreg:$0x0] =	wrdreg $0xFFFFFFFF;
	(pc) =	sbr.abs _section_cstart, $3  }
0xc0: {  	[dreg:$0x1] =	wrdreg $0xFFFFFFFF  }
0xc1: {  	_ =	task.clear_ibuf [dreg:s6], $0x2FFFF;
	_ =	strace $0x9FFFFFFF  }
0xc2: {  	(tm) =	ssettm $0x7FFFFFFF  }
0xc3: {  	_ =	shalt  }
tec
execute0_lowered:
.L_overlay_start_1:
0x0: {  	(tag) =	ssettag $0x1  }
0x1: {  	s1 =	srdreg.scid  }
0x2: {  	s0 =	stileid.u32;
	s6 =	rddreg [dreg:$0x0]  }
0x3: {  	s2 =	rddreg [dreg:$0x1];
	s13 =	simm.s32 $0x1400;
	s16 =	simm.s32 $0x2800  }
0x4: {  	s17 =	simm.s32 $0x6800;
	s18 =	simm.s32 $0x1;
	s19 =	simm.s32 $0x2  }
0x5: {  	s21 =	simm.s32 $0x4;
	s22 =	simm.s32 $0x0;
	s9 =	smul.u32 $0x280, s0  }
0x6: {  	s5 =	sand.u32 $0x1, s1;
	s30 =	sshrl.u32 s0, $0x2;
	s11 =	smul.u32 $0x50000, s0  }
0x7: {  	s29 =	sshll.u32 s0, $0x1;
	s1 =	rddreg [dreg:$0x2];
	s4 =	smul.u32 $0xA000, s30  }
0x8: {  	s14 =	sshll.u32 s0, $0x6;
	s7 =	sor.u32 s5, s29;
	s20 =	smul.u32 $0x2800, s5  }
0x9: {  	s5 =	ssub.s32 $0x2, s5;
	s14 =	sor.u32 $0x1C05, s14;
	s3 =	sshll.u32 s7, $0x7  }
0xa: {  	s7 =	smul.u32 $0x280, s7;
	s10 =	sshrl.u32 s5, $0x1;
	s31 =	sshrl.u32 s11, $0x2  }
0xb: {  	s11 =	simm.s32 $0x400;
	s8 =	sand.u32 $0x380, s3;
	s3 =	simm.s32 $0x0  }
0xc: {  	s9 =	sadd.s32 s9, s20;
	s10 =	ssub.s32 s5, s10;
	s15 =	sadd.s32 s31, s2  }
0xd: {  	v0 =	vmov s20;
	s20 =	simm.s32 $0x3;
	s4 =	sor.u32 s4, s8;
	[smem:$0x7FF] =	sst s3  }
0xe: {  	s9 =	sshll.u32 s9, $0x4;
	s7 =	sadd.s32 s7, s6;
	s15 =	sshrl.u32 s15, $0x3  }
0xf: {  	s8 =	sshrl.u32 s4, $0x3;
	_ =	strace $0x8000004A;
	s4 =	sadd.s32 $0xBE00, s6  }
0x10: {  	s12 =	sadd.s32 s9, s6;
	s8 =	sadd.s32 s8, s6;
	s6 =	sadd.s32 $0x1E00, s7  }
0x11: {  	s7 =	sadd.s32 s4, s9;
	s9 =	smax.u32 s10, $0x1;
	s10 =	simm.s32 $0x80  }
0x12: {  	s5 =	sadd.s32 $0x6E00, s8;
	s8 =	sadd.s32 $0x5BE00, s12;
	s12 =	simm.s32 $0x5  }
.LBB2_1:
0x13: {  	[tilespmem:s3], [sflag:$0x5] =	stream.strided.gather [hbm4b:s5+s10], $0x1400, s11, s10, $0x38;
	[tilespmem:$0x1E800] =	vst v63  }
0x14: {  	_ =	swait.ge [sflag:s12], $0x1400  }
0x15: {  	[sflag:s12] =	ssyncset.done $0x0  }
0x16: {  	[sflag:s12] =	ssyncadd.s32 $0xFFFFEC00  }
0x17: {  	[tilespmem:s13], [sflag:$0x5] =	stream.linear.gather [hbm4b:s6+s3], $0x1400, $0x38;
	[tilespmem:$0x1E800] =	vst v63  }
0x18: {  	_ =	swait.ge [sflag:s12], $0x1400  }
0x19: {  	[sflag:s12] =	ssyncset.done $0x0  }
0x1a: {  	s23 =	simm.s32 $0x0;
	s24 =	simm.s32 $0x40;
	[sflag:s12] =	ssyncadd.s32 $0xFFFFEC00  }
.LBB2_2:
0x1b: {  	p0 =	sne.s32 s24, $0x4FC0;
	v1 =	vld [tilespmem:s23+$0x0];
	_ =	sdelay $0x1  }
.Ltmp0:
0x1c: {  	(pc) =	sbr.rel @p0 .LBB2_2-.Ltmp0, $3  }
0x1d: {  	_ =	sdelay $0x1  }
0x1e: {  	v1 =	vadd.s32 v0, v1  }
0x1f: {  	[tilespmem:s23+$0x0] =	vst v1;
	s23 =	sshra.s32 s24, $0x2;
	s24 =	sadd.s32 $0x40, s24  }
0x20: {  	v1 =	vld [tilespmem:s23+$0x0];
	_ =	sdelay $0x4  }
0x21: {  	v1 =	vadd.s32 v0, v1  }
0x22: {  	[tilespmem:s23+$0x0] =	vst v1  }
0x23: {  	[spmem:s15], [sflag:s14] =	dma.local [hbm:s7], $0x2800  }
0x24: {  	_ =	swait.ge [sflag:s12], $0x2800  }
0x25: {  	[sflag:s12] =	ssyncset.done $0x0  }
0x26: {  	[sflag:s12] =	ssyncadd.s32 $0xFFFFD800  }
0x27: {  	s28 =	simm.s32 $0x0;
	[bflag:$0x0] =	sbarrier.arrive $0xFFFF  }
0x28: {  	[tilespmem:s16], [sflag:$0x1] =	stream.indirect.gather [hbm4b:s4+s10], $0x80, s28, s10, $0xb8;
	[tilespmem:$0x1E800] =	vst v63  }
0x29: {  	s29 =	simm.s32 $0x80  }
0x2a: {  	[tilespmem:s17], [sflag:$0x2] =	stream.indirect.gather [hbm4b:s4+s10], $0x80, s29, s10, $0xb8;
	[tilespmem:$0x1E800] =	vst v63  }
0x2b: {  	_ =	swait.ge [sflag:s18], $0x4000  }
0x2c: {  	[sflag:s18] =	ssyncset.done $0x0  }
0x2d: {  	s30 =	simm.s32 $0x1400;
	[sflag:s18] =	ssyncadd.s32 $0xFFFFC000  }
0x2e: {  	[spmem:s2] =	stream.indirect.scatter.add.f32 [tilespmem:s16], [sflag:$0x3], $0x80, s30, s10, $0xb8;
	[tilespmem:$0x1E800] =	vst v63  }
0x2f: {  	_ =	swait.ge [sflag:s19], $0x4000  }
0x30: {  	[sflag:s19] =	ssyncset.done $0x0  }
0x31: {  	s31 =	simm.s32 $0x1480;
	[sflag:s19] =	ssyncadd.s32 $0xFFFFC000  }
0x32: {  	[spmem:s2] =	stream.indirect.scatter.add.f32 [tilespmem:s17], [sflag:$0x4], $0x80, s31, s10, $0xb8;
	[tilespmem:$0x1E800] =	vst v63  }
0x33: {  	_ =	swait.ge [sflag:s20], $0x4000  }
0x34: {  	[sflag:s20] =	ssyncset.done $0x0  }
0x35: {  	[sflag:s20] =	ssyncadd.s32 $0xFFFFC000  }
0x36: {  	_ =	swait.ge [sflag:s21], $0x4000  }
0x37: {  	s24 =	simm.s32 $0x800;
	s23 =	simm.s32 $0x400;
	[sflag:s21] =	ssyncset.done $0x0  }
.LBB2_4:
0x38: {  	s25 =	sshra.s32 s23, $0x2  }
0x39: {  	[sflag:s21] =	ssyncadd.s32 $0xFFFFC000;
	s23 =	smov.u32 s24;
	s26 =	sadd.s32 $0x400, s24  }
0x3a: {  	[tilespmem:s16], [sflag:$0x1] =	stream.indirect.gather [hbm4b:s4+s10], $0x80, s25, s10, $0xb8;
	[tilespmem:$0x1E800] =	vst v63  }
0x3b: {  	p0 =	sne.s32 s24, $0x4C00;
	s24 =	sadd.s32 $0x80, s25  }
0x3c: {  	[tilespmem:s17], [sflag:$0x2] =	stream.indirect.gather [hbm4b:s4+s10], $0x80, s24, s10, $0xb8;
	[tilespmem:$0x1E800] =	vst v63  }
0x3d: {  	_ =	swait.ge [sflag:s18], $0x4000  }
0x3e: {  	[sflag:s18] =	ssyncset.done $0x0  }
0x3f: {  	s24 =	sadd.s32 $0x1400, s25;
	[sflag:s18] =	ssyncadd.s32 $0xFFFFC000  }
0x40: {  	[spmem:s2] =	stream.indirect.scatter.add.f32 [tilespmem:s16], [sflag:$0x3], $0x80, s24, s10, $0xb8;
	[tilespmem:$0x1E800] =	vst v63  }
0x41: {  	_ =	swait.ge [sflag:s19], $0x4000  }
0x42: {  	[sflag:s19] =	ssyncset.done $0x0  }
0x43: {  	s24 =	sadd.s32 $0x1480, s25;
	[sflag:s19] =	ssyncadd.s32 $0xFFFFC000  }
0x44: {  	[spmem:s2] =	stream.indirect.scatter.add.f32 [tilespmem:s17], [sflag:$0x4], $0x80, s24, s10, $0xb8;
	[tilespmem:$0x1E800] =	vst v63  }
.Ltmp1:
0x45: {  	_ =	swait.ge [sflag:s20], $0x4000;
	(pc) =	sbr.rel @p0 .LBB2_4-.Ltmp1, $4  }
0x46: {  	[sflag:s20] =	ssyncset.done $0x0  }
0x47: {  	[sflag:s20] =	ssyncadd.s32 $0xFFFFC000  }
0x48: {  	_ =	swait.ge [sflag:s21], $0x4000  }
0x49: {  	s24 =	smov.u32 s26;
	[sflag:s21] =	ssyncset.done $0x0  }
0x4a: {  	s23 =	sshra.s32 s23, $0x2;
	[sflag:s21] =	ssyncadd.s32 $0xFFFFC000  }
0x4b: {  	[tilespmem:s16], [sflag:$0x1] =	stream.indirect.gather [hbm4b:s4+s10], $0x80, s23, s10, $0xb8;
	[tilespmem:$0x1E800] =	vst v63  }
0x4c: {  	s24 =	sadd.s32 $0x80, s23  }
0x4d: {  	[tilespmem:s17], [sflag:$0x2] =	stream.indirect.gather [hbm4b:s4+s10], $0x80, s24, s10, $0xb8;
	[tilespmem:$0x1E800] =	vst v63  }
0x4e: {  	_ =	swait.ge [sflag:s18], $0x4000  }
0x4f: {  	[sflag:s18] =	ssyncset.done $0x0  }
0x50: {  	s31 =	sadd.s32 $0x1400, s23;
	[sflag:s18] =	ssyncadd.s32 $0xFFFFC000  }
0x51: {  	[spmem:s2] =	stream.indirect.scatter.add.f32 [tilespmem:s16], [sflag:$0x3], $0x80, s31, s10, $0xb8;
	[tilespmem:$0x1E800] =	vst v63  }
0x52: {  	_ =	swait.ge [sflag:s19], $0x4000  }
0x53: {  	[sflag:s19] =	ssyncset.done $0x0  }
0x54: {  	s23 =	sadd.s32 $0x1480, s23;
	[sflag:s19] =	ssyncadd.s32 $0xFFFFC000  }
0x55: {  	[spmem:s2] =	stream.indirect.scatter.add.f32 [tilespmem:s17], [sflag:$0x4], $0x80, s23, s10, $0xb8;
	[tilespmem:$0x1E800] =	vst v63  }
0x56: {  	_ =	swait.ge [sflag:s20], $0x4000  }
0x57: {  	[sflag:s20] =	ssyncset.done $0x0  }
0x58: {  	[sflag:s20] =	ssyncadd.s32 $0xFFFFC000  }
0x59: {  	_ =	swait.ge [sflag:s21], $0x4000  }
0x5a: {  	s22 =	sadd.s32 $0x1, s22;
	[sflag:s21] =	ssyncset.done $0x0  }
0x5b: {  	p0 =	sne.s32 s22, s9;
	[sflag:s21] =	ssyncadd.s32 $0xFFFFC000  }
.Ltmp2:
0x5c: {  	[bflag:$0x0] =	sbarrier.arrive $0xFFFF;
	(pc) =	sbr.rel @p0 .LBB2_1-.Ltmp2, $4  }
0x5d: {  	[hbm:s8], [sflag:s14] =	dma.local [spmem:s15], $0x2800  }
0x5e: {  	_ =	swait.ge [sflag:s12], $0x2800  }
0x5f: {  	[sflag:s12] =	ssyncset.done $0x0  }
0x60: {  	[sflag:s12] =	ssyncadd.s32 $0xFFFFD800  }
0x61: {  	_ =	sfence.sel $0x180000  }
0x62: {  	[bflag:$0x0] =	sbarrier.arrive $0xFFFF  }
0x63: {  	p0 =	sne.s32 s0, $0x0;
	_ =	strace $0x9000004A  }
0x64: {  	s0 =	sadd.s32 @!p0 $0x100000, s1;
	[bflag:$0x2] =	sbarrier.arrive $0xFFFF  }
0x65: {  	[sflag:s0] =	ssyncadd.tile.s32 @!p0 $0x1;
	_ =	shalt  }
.Lfunc_end2:
_tile_overlayer_lowered:
.L_overlay_start_2:
0x66: {  	(tag) =	ssettag $0x2  }
0x67: {  	s0 =	rddreg [dreg:$0x0];
	s2 =	stileid.u32  }
0x68: {  	s1 =	rddreg [dreg:$0x1];
	p0 =	sne.s32 s2, $0x0  }
0x69: {  	s3 =	rddreg [dreg:$0x2];
	[bflag:$0x3] =	sbarrier.arrive $0xFFFF;
	s2 =	simm.s32 @!p0 $0x1C05  }
0x6a: {  	[timem:s3], [sflag:s2] =	dma.local @!p0 [hbm:s0], s1  }
0x6b: {  	s0 =	simm.s32 @!p0 $0x5  }
0x6c: {  	_ =	swait.ge @!p0 [sflag:s0], s1  }
0x6d: {  	s1 =	ssub.s32 @!p0 $0x0, s1;
	[sflag:s0] =	ssyncset.done @!p0 $0x0  }
0x6e: {  	[sflag:s0] =	ssyncadd.s32 @!p0 s1  }
0x6f: {  	[bflag:$0x3] =	sbarrier.arrive $0xFFFF  }
0x70: {  	_ =	shalt  }

// kernel: kernel.14.cloned.1.call-start
scs
__scs_entry_jumppad:
0x0: {  	(pc) =	sbr.rel $0x88, $3  }
0x1: {  	(tag) =	ssettag $0x0;
	lr =	simm.s32 $0x1  }
0x2: {  	[smem:$0x3F9B] =	sst lr;
	_ =	strace $0xD0000000  }
0x3: {  	_ = 	snop  }
0x4: {  	_ = 	snop  }
0x5: {  	_ = 	snop  }
0x6: {  	_ = 	snop  }
0x7: {  	_ = 	snop  }
__scs_overlays_trampoline_lowered:
0x8: {  	[smem:$0x3FAA] =	sst s0  }
0x9: {  	[smem:$0x3FAB] =	sst s1  }
0xa: {  	[smem:$0x3FAC] =	sst s2  }
0xb: {  	[smem:$0x3FAD] =	sst s3  }
0xc: {  	[smem:$0x3FAE] =	sst s4  }
0xd: {  	[smem:$0x3FAF] =	sst s5  }
0xe: {  	[smem:$0x3FB0] =	sst s6  }
0xf: {  	[smem:$0x3FB1] =	sst s7  }
0x10: {  	[smem:$0x3FB2] =	sst s8  }
0x11: {  	[smem:$0x3FB3] =	sst s9;
	s0 =	simm.s32 @!p0 $0x0  }
0x12: {  	s1 =	sld [smem:$0x3F99];
	s0 =	simm.s32 @p0 $0x1  }
0x13: {  	[smem:$0x3FB4] =	sst s0;
	s0 =	simm.s32 @!p1 $0x0  }
0x14: {  	s2 =	sld [smem:$0x3F98];
	s0 =	simm.s32 @p1 $0x1  }
0x15: {  	[smem:$0x3FB5] =	sst s0;
	s0 =	simm.s32 @!p2 $0x0  }
0x16: {  	s3 =	sld [smem:$0x3FDB];
	s0 =	simm.s32 @p2 $0x1  }
0x17: {  	s4 =	simm.s32 $0x1BF5;
	[smem:$0x3FB7] =	sst s0  }
0x18: {  	s0 =	sld [smem:$0x3F9A];
	_ =	swait.ge [sflag:s4], $0x0  }
0x19: {  	s7 =	sld [smem:$0x3F9B]  }
0x1a: {  	s8 =	sadd.s32 $0xFFFFE003, lr  }
0x1b: {  	s9 =	sadd.s32 $0xFFFFFEF7, lr;
	s5 =	simm.s32 $0xFFFFFFFF;
	p2 =	slt.u32 s8, $0xFFFFF086  }
0x1c: {  	p1 =	slt.u32 s9, $0xF7A;
	s5 =	simm.s32 @!p2 $0x0  }
0x1d: {  	s5 =	simm.s32 @p1 $0x1;
	p0 =	seq.s32 s7, s2  }
0x1e: {  	s7 =	smul.u32 @!p0 $0xF7A, s2;
	p2 =	seq.s32 @!p0 s5, $0x0  }
0x1f: {  	s9 =	smul.u32 $0xF7A, s1;
	s8 =	simm.s32 @!p0 $0x1BF5;
	p2 =	por !p2, p0  }
0x20: {  	[sflag:s8] =	ssyncset.s32 @!p0 $0xFFFFF086;
	s6 =	sadd.s32 @!p0 s3, s7;
	s7 =	simm.s32 @!p0 $0x108  }
0x21: {  	s3 =	sadd.s32 s3, s9;
	s6 =	sadd.s32 @!p0 $0x88, s6;
	s7 =	simm.s32 @p2 $0x1082  }
0x22: {  	[simem:s7], [sflag:s8] =	dma.local @!p0 [hbm:s6], $0xF7A  }
0x23: {  	s9 =	sor.u32 $0xD0000000, s2;
	s6 =	simm.s32 $0x108;
	_ =	swait.ge @!p0 [sflag:s8], $0x0  }
0x24: {  	s3 =	sadd.s32 $0x88, s3;
	s6 =	simm.s32 @!p1 $0x1082;
	[sflag:s4] =	ssyncset.s32 $0xFFFFF086  }
0x25: {  	[simem:s6], [sflag:s4] =	dma.local [hbm:s3], $0xF7A  }
0x26: {  	[smem:$0x3F9B] =	sst s1;
	(tag) =	ssettag s2;
	_ =	strace s9  }
0x27: {  	s1 =	sld [smem:$0x3FAB]  }
0x28: {  	s2 =	sld [smem:$0x3FAC]  }
0x29: {  	s4 =	sld [smem:$0x3FAE]  }
0x2a: {  	p0 =	seq.s32 s5, $0x0;
	s5 =	sld [smem:$0x3FAF]  }
0x2b: {  	s6 =	sld [smem:$0x3FB0]  }
0x2c: {  	s7 =	sld [smem:$0x3FB1]  }
0x2d: {  	s3 =	simm.s32 $0x108;
	s8 =	sld [smem:$0x3FB2]  }
0x2e: {  	s3 =	simm.s32 @!p0 $0x1082;
	s9 =	sld [smem:$0x3FB3]  }
0x2f: {  	lr =	sadd.s32 s0, s3;
	s0 =	sld [smem:$0x3FAA]  }
0x30: {  	s3 =	sld [smem:$0x3FAD]  }
0x31: {  	[smem:$0x3FB6] =	sst s10  }
0x32: {  	s10 =	sld [smem:$0x3FB4];
	_ =	sdelay $0x3  }
0x33: {  	p0 =	seq.s32 s10, $0x1;
	s10 =	sld [smem:$0x3FB6];
	_ =	sdelay $0x3  }
0x34: {  	[smem:$0x3FB6] =	sst s10  }
0x35: {  	s10 =	sld [smem:$0x3FB5];
	_ =	sdelay $0x3  }
0x36: {  	p1 =	seq.s32 s10, $0x1;
	s10 =	sld [smem:$0x3FB6];
	_ =	sdelay $0x3  }
0x37: {  	[smem:$0x3FB6] =	sst s10  }
0x38: {  	s10 =	sld [smem:$0x3FB7]  }
0x39: {  	_ = 	snop;
	(pc) =	sbr.ind lr, $3  }
0x3a: {  	_ = 	snop  }
0x3b: {  	_ = 	snop  }
0x3c: {  	p2 =	seq.s32 s10, $0x1;
	s10 =	sld [smem:$0x3FB6]  }
0x3d: {  	_ =	shalt  }
0x3e: {  	_ =	shalt  }
0x3f: {  	_ =	shalt  }
0x40: {  	_ =	shalt  }
0x41: {  	_ =	shalt  }
0x42: {  	_ =	shalt  }
0x43: {  	_ =	shalt  }
0x44: {  	_ =	shalt  }
0x45: {  	_ =	shalt  }
0x46: {  	_ =	shalt  }
0x47: {  	_ =	shalt  }
0x48: {  	_ =	shalt  }
0x49: {  	_ =	shalt  }
0x4a: {  	_ =	shalt  }
0x4b: {  	_ =	shalt  }
0x4c: {  	_ =	shalt  }
0x4d: {  	_ =	shalt  }
0x4e: {  	_ =	shalt  }
0x4f: {  	_ =	shalt  }
0x50: {  	_ =	shalt  }
0x51: {  	_ =	shalt  }
0x52: {  	_ =	shalt  }
0x53: {  	_ =	shalt  }
0x54: {  	_ =	shalt  }
0x55: {  	_ =	shalt  }
0x56: {  	_ =	shalt  }
0x57: {  	_ =	shalt  }
0x58: {  	_ =	shalt  }
0x59: {  	_ =	shalt  }
0x5a: {  	_ =	shalt  }
0x5b: {  	_ =	shalt  }
0x5c: {  	_ =	shalt  }
0x5d: {  	_ =	shalt  }
0x5e: {  	_ =	shalt  }
0x5f: {  	_ =	shalt  }
0x60: {  	_ =	shalt  }
0x61: {  	_ =	shalt  }
0x62: {  	_ =	shalt  }
0x63: {  	_ =	shalt  }
0x64: {  	_ =	shalt  }
0x65: {  	_ =	shalt  }
0x66: {  	_ =	shalt  }
0x67: {  	_ =	shalt  }
0x68: {  	_ =	shalt  }
0x69: {  	_ =	shalt  }
0x6a: {  	_ =	shalt  }
0x6b: {  	_ =	shalt  }
0x6c: {  	_ =	shalt  }
0x6d: {  	_ =	shalt  }
0x6e: {  	_ =	shalt  }
0x6f: {  	_ =	shalt  }
0x70: {  	_ =	shalt  }
0x71: {  	_ =	shalt  }
0x72: {  	_ =	shalt  }
0x73: {  	_ =	shalt  }
0x74: {  	_ =	shalt  }
0x75: {  	_ =	shalt  }
0x76: {  	_ =	shalt  }
0x77: {  	_ =	shalt  }
0x78: {  	_ =	shalt  }
0x79: {  	_ =	shalt  }
0x7a: {  	_ =	shalt  }
0x7b: {  	_ =	shalt  }
0x7c: {  	_ =	shalt  }
0x7d: {  	_ =	shalt  }
0x7e: {  	_ =	shalt  }
0x7f: {  	_ =	shalt  }
0x80: {  	_ =	shalt  }
0x81: {  	_ =	shalt  }
0x82: {  	_ =	shalt  }
0x83: {  	_ =	shalt  }
0x84: {  	_ =	shalt  }
0x85: {  	_ =	shalt  }
0x86: {  	_ =	shalt  }
0x87: {  	_ =	shalt  }
.Lfunc_end0:
.L_simem_size_0:
called_computation.2_lowered:
.L_overlay_start_0:
0x88: {  	s2 =	sld [smem:$0x3FD9]  }
0x89: {  	s3 =	sld [smem:$0x3FFE];
	_ =	sdelay $0x1  }
0x8a: {  	s1 =	srdreg.scid  }
0x8b: {  	s0 =	sand.u32 $0x1, s1  }
0x8c: {  	s16 =	sshll.u32 s0, $0xA;
	s2 =	sadd.s32 s3, s2  }
0x8d: {  	s2 =	sadd.s32 s2, s16  }
0x8e: {  	[smem:$0x3FC2] =	sst s2  }
0x8f: {  	_ = 	snop  }
0x90: {  	(tm) =	ssettm $0x1  }
0x91: {  	s17 =	sld [smem:$0x3FFB];
	_ =	sdelay $0x3  }
0x92: {  	_ =	strace s17  }
0x93: {  	s2 =	sld [smem:$0x3FFC];
	_ =	sdelay $0x3  }
0x94: {  	_ =	strace s2  }
0x95: {  	s2 =	sld [smem:$0x3FFD];
	_ =	sdelay $0x3  }
0x96: {  	_ =	strace s2  }
0x97: {  	_ =	strace $0x8FFFFFFF  }
0x98: {  	s18 =	sld [smem:$0x3FDB];
	_ =	sdelay $0x1  }
0x99: {  	s19 =	simm.s32 $_scs_section_size  }
0x9a: {  	s4 =	simm.s32 $_size__tile_overlayer_lowered;
	s5 =	simm.s32 $_tile_overlayer_lowered  }
0x9b: {  	s22 =	simm.s32 $0x1BFF;
	s21 =	sshll.u32 s5, $0x1;
	s2 =	sadd.s32 s19, s18  }
0x9c: {  	s6 =	simm.s32 $0x0;
	s20 =	sshll.u32 s4, $0x1;
	s4 =	sadd.s32 s21, s2  }
0x9d: {  	[timem:s6], [sflag:s22] =	dma.local [hbm:s4], s20  }
0x9e: {  	_ =	swait.ge [sflag:s22], s20  }
0x9f: {  	s3 =	ssub.s32 $0x0, s20;
	[sflag:s22] =	ssyncset.done $0x0  }
0xa0: {  	[sflag:s22] =	ssyncadd.s32 s3;
	_ =	sdelay $0x1  }
0xa1: {  	s23 =	simm.s32 $0x1B8B  }
0xa2: {  	_ =	swait.ge [sflag:s23], $0x1  }
0xa3: {  	[sflag:s23] =	ssyncset.done $0x0  }
0xa4: {  	s25 =	simm.s32 $0x1B8E;
	s24 =	sld [smem:$0x3FFE];
	[sflag:s23] =	ssyncadd.s32 $0xFFFFFFFF  }
0xa5: {  	s26 =	simm.s32 $execute0_lowered;
	[smem:$0x3FD2] =	sst s25  }
0xa6: {  	s4 =	sshll.u32 s26, $0x1;
	_ =	strace $0x8000004C;
	[dreg:$0x1] =	wrdreg $0xFFFFFFFF  }
0xa7: {  	s28 =	simm.s32 $_size_execute0_lowered;
	s2 =	sadd.s32 s2, s4;
	[dreg:$0x0] =	wrdreg $0x0  }
0xa8: {  	s4 =	sshll.u32 s28, $0x1;
	[dreg:$0x2] =	wrdreg s2  }
0xa9: {  	[dreg:$0x3] =	wrdreg s4  }
0xaa: {  	[dreg:$0x4] =	wrdreg $0xC0  }
0xab: {  	_ =	task [dreg:s6], $0x5FFFF  }
0xac: {  	[dreg:$0x1] =	wrdreg $0xFFFFFFFF  }
0xad: {  	[dreg:$0x0] =	wrdreg $0x60  }
0xae: {  	[dreg:$0x2] =	wrdreg s24  }
0xaf: {  	[dreg:$0x3] =	wrdreg $0xA8000  }
0xb0: {  	[dreg:$0x4] =	wrdreg $0x9  }
0xb1: {  	_ =	task.clear_ibuf [dreg:s6], $0x5FFFF;
	_ =	strace $0x9000004C  }
0xb2: {  	s29 =	simm.s32 $0x9;
	_ =	strace $0x8000004E  }
0xb3: {  	_ =	swait.ge [sflag:s29], $0x1  }
0xb4: {  	[sflag:s29] =	ssyncadd.s32 $0xFFFFFFFF  }
0xb5: {  	_ =	strace $0x9000004E  }
0xb6: {  	_ =	sfence  }
0xb7: {  	s30 =	sld [smem:$0x0];
	_ =	sdelay $0x2  }
0xb8: {  	s31 =	sshll.u32 s1, $0xD;
	s1 =	sshrl.u32 s1, $0x2  }
0xb9: {  	s3 =	sand.u32 $0x4000, s31;
	s1 =	sadd.s32 s1, s30  }
0xba: {  	s0 =	sor.u32 s3, s0;
	s1 =	sshll.u32 s1, $0x11  }
0xbb: {  	s0 =	sor.u32 s1, s0  }
0xbc: {  	s0 =	sadd.s32 $0x8F2B, s0  }
0xbd: {  	[sflag:s0] =	ssyncadd.remote.s32 $0x1  }
0xbe: {  	_ =	sfence.sel $0xFFFF  }
0xbf: {  	[dreg:$0x0] =	wrdreg $0xFFFFFFFF;
	(pc) =	sbr.abs _section_cstart, $3  }
0xc0: {  	[dreg:$0x1] =	wrdreg $0xFFFFFFFF  }
0xc1: {  	_ =	task.clear_ibuf [dreg:s6], $0x2FFFF;
	_ =	strace $0x9FFFFFFF  }
0xc2: {  	(tm) =	ssettm $0x7FFFFFFF  }
0xc3: {  	_ =	shalt  }
tec
execute0_lowered:
.L_overlay_start_1:
0x0: {  	(tag) =	ssettag $0x1  }
0x1: {  	s1 =	srdreg.scid  }
0x2: {  	s0 =	stileid.u32;
	s6 =	rddreg [dreg:$0x0]  }
0x3: {  	s2 =	rddreg [dreg:$0x1];
	s13 =	simm.s32 $0x1400;
	s16 =	simm.s32 $0x2800  }
0x4: {  	s17 =	simm.s32 $0x6800;
	s18 =	simm.s32 $0x1;
	s19 =	simm.s32 $0x2  }
0x5: {  	s21 =	simm.s32 $0x4;
	s22 =	simm.s32 $0x0;
	s9 =	smul.u32 $0x280, s0  }
0x6: {  	s5 =	sand.u32 $0x1, s1;
	s30 =	sshrl.u32 s0, $0x2;
	s11 =	smul.u32 $0x50000, s0  }
0x7: {  	s29 =	sshll.u32 s0, $0x1;
	s1 =	rddreg [dreg:$0x2];
	s4 =	smul.u32 $0xA000, s30  }
0x8: {  	s14 =	sshll.u32 s0, $0x6;
	s7 =	sor.u32 s5, s29;
	s20 =	smul.u32 $0x2800, s5  }
0x9: {  	s5 =	ssub.s32 $0x2, s5;
	s14 =	sor.u32 $0x1C05, s14;
	s3 =	sshll.u32 s7, $0x7  }
0xa: {  	s7 =	smul.u32 $0x280, s7;
	s10 =	sshrl.u32 s5, $0x1;
	s31 =	sshrl.u32 s11, $0x2  }
0xb: {  	s11 =	simm.s32 $0x400;
	s8 =	sand.u32 $0x380, s3;
	s3 =	simm.s32 $0x0  }
0xc: {  	s9 =	sadd.s32 s9, s20;
	s10 =	ssub.s32 s5, s10;
	s15 =	sadd.s32 s31, s2  }
0xd: {  	v0 =	vmov s20;
	s20 =	simm.s32 $0x3;
	s4 =	sor.u32 s4, s8;
	[smem:$0x7FF] =	sst s3  }
0xe: {  	s9 =	sshll.u32 s9, $0x4;
	s7 =	sadd.s32 s7, s6;
	s15 =	sshrl.u32 s15, $0x3  }
0xf: {  	s8 =	sshrl.u32 s4, $0x3;
	_ =	strace $0x8000004D;
	s4 =	sadd.s32 $0xBE00, s6  }
0x10: {  	s12 =	sadd.s32 s9, s6;
	s8 =	sadd.s32 s8, s6;
	s6 =	sadd.s32 $0x1E00, s7  }
0x11: {  	s7 =	sadd.s32 s4, s9;
	s9 =	smax.u32 s10, $0x1;
	s10 =	simm.s32 $0x80  }
0x12: {  	s5 =	sadd.s32 $0x6E00, s8;
	s8 =	sadd.s32 $0x5BE00, s12;
	s12 =	simm.s32 $0x5  }
.LBB2_1:
0x13: {  	[tilespmem:s3], [sflag:$0x5] =	stream.strided.gather [hbm4b:s5+s10], $0x1400, s11, s10, $0x38;
	[tilespmem:$0x1E800] =	vst v63  }
0x14: {  	_ =	swait.ge [sflag:s12], $0x1400  }
0x15: {  	[sflag:s12] =	ssyncset.done $0x0  }
0x16: {  	[sflag:s12] =	ssyncadd.s32 $0xFFFFEC00  }
0x17: {  	[tilespmem:s13], [sflag:$0x5] =	stream.linear.gather [hbm4b:s6+s3], $0x1400, $0x38;
	[tilespmem:$0x1E800] =	vst v63  }
0x18: {  	_ =	swait.ge [sflag:s12], $0x1400  }
0x19: {  	[sflag:s12] =	ssyncset.done $0x0  }
0x1a: {  	s23 =	simm.s32 $0x0;
	s24 =	simm.s32 $0x40;
	[sflag:s12] =	ssyncadd.s32 $0xFFFFEC00  }
.LBB2_2:
0x1b: {  	p0 =	sne.s32 s24, $0x4FC0;
	v1 =	vld [tilespmem:s23+$0x0];
	_ =	sdelay $0x1  }
.Ltmp0:
0x1c: {  	(pc) =	sbr.rel @p0 .LBB2_2-.Ltmp0, $3  }
0x1d: {  	_ =	sdelay $0x1  }
0x1e: {  	v1 =	vadd.s32 v0, v1  }
0x1f: {  	[tilespmem:s23+$0x0] =	vst v1;
	s23 =	sshra.s32 s24, $0x2;
	s24 =	sadd.s32 $0x40, s24  }
0x20: {  	v1 =	vld [tilespmem:s23+$0x0];
	_ =	sdelay $0x4  }
0x21: {  	v1 =	vadd.s32 v0, v1  }
0x22: {  	[tilespmem:s23+$0x0] =	vst v1  }
0x23: {  	[spmem:s15], [sflag:s14] =	dma.local [hbm:s7], $0x2800  }
0x24: {  	_ =	swait.ge [sflag:s12], $0x2800  }
0x25: {  	[sflag:s12] =	ssyncset.done $0x0  }
0x26: {  	[sflag:s12] =	ssyncadd.s32 $0xFFFFD800  }
0x27: {  	s28 =	simm.s32 $0x0;
	[bflag:$0x0] =	sbarrier.arrive $0xFFFF  }
0x28: {  	[tilespmem:s16], [sflag:$0x1] =	stream.indirect.gather [hbm4b:s4+s10], $0x80, s28, s10, $0xb8;
	[tilespmem:$0x1E800] =	vst v63  }
0x29: {  	s29 =	simm.s32 $0x80  }
0x2a: {  	[tilespmem:s17], [sflag:$0x2] =	stream.indirect.gather [hbm4b:s4+s10], $0x80, s29, s10, $0xb8;
	[tilespmem:$0x1E800] =	vst v63  }
0x2b: {  	_ =	swait.ge [sflag:s18], $0x4000  }
0x2c: {  	[sflag:s18] =	ssyncset.done $0x0  }
0x2d: {  	s30 =	simm.s32 $0x1400;
	[sflag:s18] =	ssyncadd.s32 $0xFFFFC000  }
0x2e: {  	[spmem:s2] =	stream.indirect.scatter.add.f32 [tilespmem:s16], [sflag:$0x3], $0x80, s30, s10, $0xb8;
	[tilespmem:$0x1E800] =	vst v63  }
0x2f: {  	_ =	swait.ge [sflag:s19], $0x4000  }
0x30: {  	[sflag:s19] =	ssyncset.done $0x0  }
0x31: {  	s31 =	simm.s32 $0x1480;
	[sflag:s19] =	ssyncadd.s32 $0xFFFFC000  }
0x32: {  	[spmem:s2] =	stream.indirect.scatter.add.f32 [tilespmem:s17], [sflag:$0x4], $0x80, s31, s10, $0xb8;
	[tilespmem:$0x1E800] =	vst v63  }
0x33: {  	_ =	swait.ge [sflag:s20], $0x4000  }
0x34: {  	[sflag:s20] =	ssyncset.done $0x0  }
0x35: {  	[sflag:s20] =	ssyncadd.s32 $0xFFFFC000  }
0x36: {  	_ =	swait.ge [sflag:s21], $0x4000  }
0x37: {  	s24 =	simm.s32 $0x800;
	s23 =	simm.s32 $0x400;
	[sflag:s21] =	ssyncset.done $0x0  }
.LBB2_4:
0x38: {  	s25 =	sshra.s32 s23, $0x2  }
0x39: {  	[sflag:s21] =	ssyncadd.s32 $0xFFFFC000;
	s23 =	smov.u32 s24;
	s26 =	sadd.s32 $0x400, s24  }
0x3a: {  	[tilespmem:s16], [sflag:$0x1] =	stream.indirect.gather [hbm4b:s4+s10], $0x80, s25, s10, $0xb8;
	[tilespmem:$0x1E800] =	vst v63  }
0x3b: {  	p0 =	sne.s32 s24, $0x4C00;
	s24 =	sadd.s32 $0x80, s25  }
0x3c: {  	[tilespmem:s17], [sflag:$0x2] =	stream.indirect.gather [hbm4b:s4+s10], $0x80, s24, s10, $0xb8;
	[tilespmem:$0x1E800] =	vst v63  }
0x3d: {  	_ =	swait.ge [sflag:s18], $0x4000  }
0x3e: {  	[sflag:s18] =	ssyncset.done $0x0  }
0x3f: {  	s24 =	sadd.s32 $0x1400, s25;
	[sflag:s18] =	ssyncadd.s32 $0xFFFFC000  }
0x40: {  	[spmem:s2] =	stream.indirect.scatter.add.f32 [tilespmem:s16], [sflag:$0x3], $0x80, s24, s10, $0xb8;
	[tilespmem:$0x1E800] =	vst v63  }
0x41: {  	_ =	swait.ge [sflag:s19], $0x4000  }
0x42: {  	[sflag:s19] =	ssyncset.done $0x0  }
0x43: {  	s24 =	sadd.s32 $0x1480, s25;
	[sflag:s19] =	ssyncadd.s32 $0xFFFFC000  }
0x44: {  	[spmem:s2] =	stream.indirect.scatter.add.f32 [tilespmem:s17], [sflag:$0x4], $0x80, s24, s10, $0xb8;
	[tilespmem:$0x1E800] =	vst v63  }
.Ltmp1:
0x45: {  	_ =	swait.ge [sflag:s20], $0x4000;
	(pc) =	sbr.rel @p0 .LBB2_4-.Ltmp1, $4  }
0x46: {  	[sflag:s20] =	ssyncset.done $0x0  }
0x47: {  	[sflag:s20] =	ssyncadd.s32 $0xFFFFC000  }
0x48: {  	_ =	swait.ge [sflag:s21], $0x4000  }
0x49: {  	s24 =	smov.u32 s26;
	[sflag:s21] =	ssyncset.done $0x0  }
0x4a: {  	s23 =	sshra.s32 s23, $0x2;
	[sflag:s21] =	ssyncadd.s32 $0xFFFFC000  }
0x4b: {  	[tilespmem:s16], [sflag:$0x1] =	stream.indirect.gather [hbm4b:s4+s10], $0x80, s23, s10, $0xb8;
	[tilespmem:$0x1E800] =	vst v63  }
0x4c: {  	s24 =	sadd.s32 $0x80, s23  }
0x4d: {  	[tilespmem:s17], [sflag:$0x2] =	stream.indirect.gather [hbm4b:s4+s10], $0x80, s24, s10, $0xb8;
	[tilespmem:$0x1E800] =	vst v63  }
0x4e: {  	_ =	swait.ge [sflag:s18], $0x4000  }
0x4f: {  	[sflag:s18] =	ssyncset.done $0x0  }
0x50: {  	s31 =	sadd.s32 $0x1400, s23;
	[sflag:s18] =	ssyncadd.s32 $0xFFFFC000  }
0x51: {  	[spmem:s2] =	stream.indirect.scatter.add.f32 [tilespmem:s16], [sflag:$0x3], $0x80, s31, s10, $0xb8;
	[tilespmem:$0x1E800] =	vst v63  }
0x52: {  	_ =	swait.ge [sflag:s19], $0x4000  }
0x53: {  	[sflag:s19] =	ssyncset.done $0x0  }
0x54: {  	s23 =	sadd.s32 $0x1480, s23;
	[sflag:s19] =	ssyncadd.s32 $0xFFFFC000  }
0x55: {  	[spmem:s2] =	stream.indirect.scatter.add.f32 [tilespmem:s17], [sflag:$0x4], $0x80, s23, s10, $0xb8;
	[tilespmem:$0x1E800] =	vst v63  }
0x56: {  	_ =	swait.ge [sflag:s20], $0x4000  }
0x57: {  	[sflag:s20] =	ssyncset.done $0x0  }
0x58: {  	[sflag:s20] =	ssyncadd.s32 $0xFFFFC000  }
0x59: {  	_ =	swait.ge [sflag:s21], $0x4000  }
0x5a: {  	s22 =	sadd.s32 $0x1, s22;
	[sflag:s21] =	ssyncset.done $0x0  }
0x5b: {  	p0 =	sne.s32 s22, s9;
	[sflag:s21] =	ssyncadd.s32 $0xFFFFC000  }
.Ltmp2:
0x5c: {  	[bflag:$0x0] =	sbarrier.arrive $0xFFFF;
	(pc) =	sbr.rel @p0 .LBB2_1-.Ltmp2, $4  }
0x5d: {  	[hbm:s8], [sflag:s14] =	dma.local [spmem:s15], $0x2800  }
0x5e: {  	_ =	swait.ge [sflag:s12], $0x2800  }
0x5f: {  	[sflag:s12] =	ssyncset.done $0x0  }
0x60: {  	[sflag:s12] =	ssyncadd.s32 $0xFFFFD800  }
0x61: {  	_ =	sfence.sel $0x180000  }
0x62: {  	[bflag:$0x0] =	sbarrier.arrive $0xFFFF  }
0x63: {  	p0 =	sne.s32 s0, $0x0;
	_ =	strace $0x9000004D  }
0x64: {  	s0 =	sadd.s32 @!p0 $0x100000, s1;
	[bflag:$0x2] =	sbarrier.arrive $0xFFFF  }
0x65: {  	[sflag:s0] =	ssyncadd.tile.s32 @!p0 $0x1;
	_ =	shalt  }
.Lfunc_end2:
_tile_overlayer_lowered:
.L_overlay_start_2:
0x66: {  	(tag) =	ssettag $0x2  }
0x67: {  	s0 =	rddreg [dreg:$0x0];
	s2 =	stileid.u32  }
0x68: {  	s1 =	rddreg [dreg:$0x1];
	p0 =	sne.s32 s2, $0x0  }
0x69: {  	s3 =	rddreg [dreg:$0x2];
	[bflag:$0x3] =	sbarrier.arrive $0xFFFF;
	s2 =	simm.s32 @!p0 $0x1C05  }
0x6a: {  	[timem:s3], [sflag:s2] =	dma.local @!p0 [hbm:s0], s1  }
0x6b: {  	s0 =	simm.s32 @!p0 $0x5  }
0x6c: {  	_ =	swait.ge @!p0 [sflag:s0], s1  }
0x6d: {  	s1 =	ssub.s32 @!p0 $0x0, s1;
	[sflag:s0] =	ssyncset.done @!p0 $0x0  }
0x6e: {  	[sflag:s0] =	ssyncadd.s32 @!p0 s1  }
0x6f: {  	[bflag:$0x3] =	sbarrier.arrive $0xFFFF  }
0x70: {  	_ =	shalt  }

// kernel: kernel.8.cloned.1.call-start
scs
__scs_entry_jumppad:
0x0: {  	(pc) =	sbr.rel $0x88, $3  }
0x1: {  	(tag) =	ssettag $0x0;
	lr =	simm.s32 $0x1  }
0x2: {  	[smem:$0x3F9B] =	sst lr;
	_ =	strace $0xD0000000  }
0x3: {  	_ = 	snop  }
0x4: {  	_ = 	snop  }
0x5: {  	_ = 	snop  }
0x6: {  	_ = 	snop  }
0x7: {  	_ = 	snop  }
__scs_overlays_trampoline_lowered:
0x8: {  	[smem:$0x3FAA] =	sst s0  }
0x9: {  	[smem:$0x3FAB] =	sst s1  }
0xa: {  	[smem:$0x3FAC] =	sst s2  }
0xb: {  	[smem:$0x3FAD] =	sst s3  }
0xc: {  	[smem:$0x3FAE] =	sst s4  }
0xd: {  	[smem:$0x3FAF] =	sst s5  }
0xe: {  	[smem:$0x3FB0] =	sst s6  }
0xf: {  	[smem:$0x3FB1] =	sst s7  }
0x10: {  	[smem:$0x3FB2] =	sst s8  }
0x11: {  	[smem:$0x3FB3] =	sst s9;
	s0 =	simm.s32 @!p0 $0x0  }
0x12: {  	s1 =	sld [smem:$0x3F99];
	s0 =	simm.s32 @p0 $0x1  }
0x13: {  	[smem:$0x3FB4] =	sst s0;
	s0 =	simm.s32 @!p1 $0x0  }
0x14: {  	s2 =	sld [smem:$0x3F98];
	s0 =	simm.s32 @p1 $0x1  }
0x15: {  	[smem:$0x3FB5] =	sst s0;
	s0 =	simm.s32 @!p2 $0x0  }
0x16: {  	s3 =	sld [smem:$0x3FDB];
	s0 =	simm.s32 @p2 $0x1  }
0x17: {  	s4 =	simm.s32 $0x1BF5;
	[smem:$0x3FB7] =	sst s0  }
0x18: {  	s0 =	sld [smem:$0x3F9A];
	_ =	swait.ge [sflag:s4], $0x0  }
0x19: {  	s7 =	sld [smem:$0x3F9B]  }
0x1a: {  	s8 =	sadd.s32 $0xFFFFE003, lr  }
0x1b: {  	s9 =	sadd.s32 $0xFFFFFEF7, lr;
	s5 =	simm.s32 $0xFFFFFFFF;
	p2 =	slt.u32 s8, $0xFFFFF086  }
0x1c: {  	p1 =	slt.u32 s9, $0xF7A;
	s5 =	simm.s32 @!p2 $0x0  }
0x1d: {  	s5 =	simm.s32 @p1 $0x1;
	p0 =	seq.s32 s7, s2  }
0x1e: {  	s7 =	smul.u32 @!p0 $0xF7A, s2;
	p2 =	seq.s32 @!p0 s5, $0x0  }
0x1f: {  	s9 =	smul.u32 $0xF7A, s1;
	s8 =	simm.s32 @!p0 $0x1BF5;
	p2 =	por !p2, p0  }
0x20: {  	[sflag:s8] =	ssyncset.s32 @!p0 $0xFFFFF086;
	s6 =	sadd.s32 @!p0 s3, s7;
	s7 =	simm.s32 @!p0 $0x108  }
0x21: {  	s3 =	sadd.s32 s3, s9;
	s6 =	sadd.s32 @!p0 $0x88, s6;
	s7 =	simm.s32 @p2 $0x1082  }
0x22: {  	[simem:s7], [sflag:s8] =	dma.local @!p0 [hbm:s6], $0xF7A  }
0x23: {  	s9 =	sor.u32 $0xD0000000, s2;
	s6 =	simm.s32 $0x108;
	_ =	swait.ge @!p0 [sflag:s8], $0x0  }
0x24: {  	s3 =	sadd.s32 $0x88, s3;
	s6 =	simm.s32 @!p1 $0x1082;
	[sflag:s4] =	ssyncset.s32 $0xFFFFF086  }
0x25: {  	[simem:s6], [sflag:s4] =	dma.local [hbm:s3], $0xF7A  }
0x26: {  	[smem:$0x3F9B] =	sst s1;
	(tag) =	ssettag s2;
	_ =	strace s9  }
0x27: {  	s1 =	sld [smem:$0x3FAB]  }
0x28: {  	s2 =	sld [smem:$0x3FAC]  }
0x29: {  	s4 =	sld [smem:$0x3FAE]  }
0x2a: {  	p0 =	seq.s32 s5, $0x0;
	s5 =	sld [smem:$0x3FAF]  }
0x2b: {  	s6 =	sld [smem:$0x3FB0]  }
0x2c: {  	s7 =	sld [smem:$0x3FB1]  }
0x2d: {  	s3 =	simm.s32 $0x108;
	s8 =	sld [smem:$0x3FB2]  }
0x2e: {  	s3 =	simm.s32 @!p0 $0x1082;
	s9 =	sld [smem:$0x3FB3]  }
0x2f: {  	lr =	sadd.s32 s0, s3;
	s0 =	sld [smem:$0x3FAA]  }
0x30: {  	s3 =	sld [smem:$0x3FAD]  }
0x31: {  	[smem:$0x3FB6] =	sst s10  }
0x32: {  	s10 =	sld [smem:$0x3FB4];
	_ =	sdelay $0x3  }
0x33: {  	p0 =	seq.s32 s10, $0x1;
	s10 =	sld [smem:$0x3FB6];
	_ =	sdelay $0x3  }
0x34: {  	[smem:$0x3FB6] =	sst s10  }
0x35: {  	s10 =	sld [smem:$0x3FB5];
	_ =	sdelay $0x3  }
0x36: {  	p1 =	seq.s32 s10, $0x1;
	s10 =	sld [smem:$0x3FB6];
	_ =	sdelay $0x3  }
0x37: {  	[smem:$0x3FB6] =	sst s10  }
0x38: {  	s10 =	sld [smem:$0x3FB7]  }
0x39: {  	_ = 	snop;
	(pc) =	sbr.ind lr, $3  }
0x3a: {  	_ = 	snop  }
0x3b: {  	_ = 	snop  }
0x3c: {  	p2 =	seq.s32 s10, $0x1;
	s10 =	sld [smem:$0x3FB6]  }
0x3d: {  	_ =	shalt  }
0x3e: {  	_ =	shalt  }
0x3f: {  	_ =	shalt  }
0x40: {  	_ =	shalt  }
0x41: {  	_ =	shalt  }
0x42: {  	_ =	shalt  }
0x43: {  	_ =	shalt  }
0x44: {  	_ =	shalt  }
0x45: {  	_ =	shalt  }
0x46: {  	_ =	shalt  }
0x47: {  	_ =	shalt  }
0x48: {  	_ =	shalt  }
0x49: {  	_ =	shalt  }
0x4a: {  	_ =	shalt  }
0x4b: {  	_ =	shalt  }
0x4c: {  	_ =	shalt  }
0x4d: {  	_ =	shalt  }
0x4e: {  	_ =	shalt  }
0x4f: {  	_ =	shalt  }
0x50: {  	_ =	shalt  }
0x51: {  	_ =	shalt  }
0x52: {  	_ =	shalt  }
0x53: {  	_ =	shalt  }
0x54: {  	_ =	shalt  }
0x55: {  	_ =	shalt  }
0x56: {  	_ =	shalt  }
0x57: {  	_ =	shalt  }
0x58: {  	_ =	shalt  }
0x59: {  	_ =	shalt  }
0x5a: {  	_ =	shalt  }
0x5b: {  	_ =	shalt  }
0x5c: {  	_ =	shalt  }
0x5d: {  	_ =	shalt  }
0x5e: {  	_ =	shalt  }
0x5f: {  	_ =	shalt  }
0x60: {  	_ =	shalt  }
0x61: {  	_ =	shalt  }
0x62: {  	_ =	shalt  }
0x63: {  	_ =	shalt  }
0x64: {  	_ =	shalt  }
0x65: {  	_ =	shalt  }
0x66: {  	_ =	shalt  }
0x67: {  	_ =	shalt  }
0x68: {  	_ =	shalt  }
0x69: {  	_ =	shalt  }
0x6a: {  	_ =	shalt  }
0x6b: {  	_ =	shalt  }
0x6c: {  	_ =	shalt  }
0x6d: {  	_ =	shalt  }
0x6e: {  	_ =	shalt  }
0x6f: {  	_ =	shalt  }
0x70: {  	_ =	shalt  }
0x71: {  	_ =	shalt  }
0x72: {  	_ =	shalt  }
0x73: {  	_ =	shalt  }
0x74: {  	_ =	shalt  }
0x75: {  	_ =	shalt  }
0x76: {  	_ =	shalt  }
0x77: {  	_ =	shalt  }
0x78: {  	_ =	shalt  }
0x79: {  	_ =	shalt  }
0x7a: {  	_ =	shalt  }
0x7b: {  	_ =	shalt  }
0x7c: {  	_ =	shalt  }
0x7d: {  	_ =	shalt  }
0x7e: {  	_ =	shalt  }
0x7f: {  	_ =	shalt  }
0x80: {  	_ =	shalt  }
0x81: {  	_ =	shalt  }
0x82: {  	_ =	shalt  }
0x83: {  	_ =	shalt  }
0x84: {  	_ =	shalt  }
0x85: {  	_ =	shalt  }
0x86: {  	_ =	shalt  }
0x87: {  	_ =	shalt  }
.Lfunc_end0:
.L_simem_size_0:
called_computation_lowered:
.L_overlay_start_0:
0x88: {  	s2 =	sld [smem:$0x3FD9]  }
0x89: {  	s3 =	sld [smem:$0x3FFE];
	_ =	sdelay $0x1  }
0x8a: {  	s1 =	srdreg.scid  }
0x8b: {  	s0 =	sand.u32 $0x1, s1  }
0x8c: {  	s17 =	sshll.u32 s0, $0xA;
	s2 =	sadd.s32 s3, s2  }
0x8d: {  	s2 =	sadd.s32 s2, s17  }
0x8e: {  	[smem:$0x3FC2] =	sst s2  }
0x8f: {  	_ = 	snop  }
0x90: {  	s2 =	sld [smem:$0x3FD0];
	(tm) =	ssettm $0x1  }
0x91: {  	s18 =	sld [smem:$0x3FFB];
	_ =	sdelay $0x3  }
0x92: {  	_ =	strace s18  }
0x93: {  	s3 =	sld [smem:$0x3FFC];
	_ =	sdelay $0x3  }
0x94: {  	_ =	strace s3  }
0x95: {  	s3 =	sld [smem:$0x3FFD];
	_ =	sdelay $0x3  }
0x96: {  	_ =	strace s3  }
0x97: {  	_ =	strace $0x8FFFFFFF  }
0x98: {  	s19 =	sld [smem:$0x3FDB];
	_ =	sdelay $0x1  }
0x99: {  	s4 =	simm.s32 $_scs_section_size  }
0x9a: {  	s5 =	simm.s32 $_size__tile_overlayer_lowered;
	s6 =	simm.s32 $_tile_overlayer_lowered  }
0x9b: {  	s22 =	simm.s32 $0x1BFF;
	s21 =	sshll.u32 s6, $0x1;
	s3 =	sadd.s32 s4, s19  }
0x9c: {  	s7 =	simm.s32 $0x0;
	s20 =	sshll.u32 s5, $0x1;
	s5 =	sadd.s32 s21, s3  }
0x9d: {  	[timem:s7], [sflag:s22] =	dma.local [hbm:s5], s20  }
0x9e: {  	_ =	swait.ge [sflag:s22], s20  }
0x9f: {  	s4 =	ssub.s32 $0x0, s20;
	[sflag:s22] =	ssyncset.done $0x0  }
0xa0: {  	[sflag:s22] =	ssyncadd.s32 s4;
	_ =	sdelay $0x1  }
0xa1: {  	s23 =	simm.s32 $0x1B8B  }
0xa2: {  	_ =	swait.ge [sflag:s23], $0x1  }
0xa3: {  	[sflag:s23] =	ssyncset.done $0x0  }
0xa4: {  	s25 =	simm.s32 $0x1B8E;
	s24 =	sld [smem:$0x3FFE];
	[sflag:s23] =	ssyncadd.s32 $0xFFFFFFFF  }
0xa5: {  	s26 =	simm.s32 $execute0_lowered;
	[smem:$0x3FD2] =	sst s25  }
0xa6: {  	s5 =	sshll.u32 s26, $0x1;
	_ =	strace $0x80000046;
	[dreg:$0x1] =	wrdreg $0xFFFFFFFF  }
0xa7: {  	s28 =	simm.s32 $_size_execute0_lowered;
	s3 =	sadd.s32 s3, s5;
	[dreg:$0x0] =	wrdreg $0x0  }
0xa8: {  	s5 =	sshll.u32 s28, $0x1;
	[dreg:$0x2] =	wrdreg s3  }
0xa9: {  	[dreg:$0x3] =	wrdreg s5  }
0xaa: {  	[dreg:$0x4] =	wrdreg $0xC0  }
0xab: {  	_ =	task [dreg:s7], $0x5FFFF  }
0xac: {  	[dreg:$0x1] =	wrdreg $0xFFFFFFFF  }
0xad: {  	[dreg:$0x0] =	wrdreg $0x60  }
0xae: {  	[dreg:$0x2] =	wrdreg s24  }
0xaf: {  	[dreg:$0x3] =	wrdreg s2  }
0xb0: {  	[dreg:$0x4] =	wrdreg $0x68000  }
0xb1: {  	[dreg:$0x5] =	wrdreg $0x9  }
0xb2: {  	_ =	task.clear_ibuf [dreg:s7], $0x6FFFF;
	_ =	strace $0x90000046  }
0xb3: {  	s29 =	simm.s32 $0x9;
	_ =	strace $0x80000048  }
0xb4: {  	_ =	swait.ge [sflag:s29], $0x1  }
0xb5: {  	[sflag:s29] =	ssyncadd.s32 $0xFFFFFFFF  }
0xb6: {  	_ =	strace $0x90000048  }
0xb7: {  	_ =	sfence  }
0xb8: {  	s30 =	sld [smem:$0x0];
	_ =	sdelay $0x2  }
0xb9: {  	s31 =	sshll.u32 s1, $0xD;
	s1 =	sshrl.u32 s1, $0x2  }
0xba: {  	s3 =	sand.u32 $0x4000, s31;
	s1 =	sadd.s32 s1, s30  }
0xbb: {  	s0 =	sor.u32 s3, s0;
	s1 =	sshll.u32 s1, $0x11  }
0xbc: {  	s0 =	sor.u32 s1, s0  }
0xbd: {  	s0 =	sadd.s32 $0x8F2B, s0  }
0xbe: {  	[sflag:s0] =	ssyncadd.remote.s32 $0x1  }
0xbf: {  	_ =	sfence.sel $0xFFFF  }
0xc0: {  	[dreg:$0x0] =	wrdreg $0xFFFFFFFF;
	(pc) =	sbr.abs _section_cstart, $3  }
0xc1: {  	[dreg:$0x1] =	wrdreg $0xFFFFFFFF  }
0xc2: {  	_ =	task.clear_ibuf [dreg:s7], $0x2FFFF;
	_ =	strace $0x9FFFFFFF  }
0xc3: {  	(tm) =	ssettm $0x7FFFFFFF  }
tec
execute0_lowered:
.L_overlay_start_1:
0x0: {  	(tag) =	ssettag $0x1  }
0x1: {  	s1 =	srdreg.scid  }
0x2: {  	s1 =	sand.u32 $0x1, s1  }
0x3: {  	p0 =	seq.s32 s1, $0x1  }
.Ltmp0:
0x4: {  	s3 =	rddreg [dreg:$0x0];
	(pc) =	sbr.rel @p0 .LBB2_8-.Ltmp0, $4  }
0x5: {  	s4 =	rddreg [dreg:$0x1]  }
0x6: {  	s2 =	rddreg [dreg:$0x2];
	s5 =	simm.s32 $0x0  }
0x7: {  	[smem:$0x7FF] =	sst s5  }
0x8: {  	s0 =	rddreg [dreg:$0x3];
	_ =	strace $0x80000047;
	s1 =	stileid.u32  }
0x9: {  	s5 =	smul.u32 $0x50000, s1  }
0xa: {  	s6 =	smul.u32 $0x500, s1  }
0xb: {  	s31 =	smul.u32 $0x2800, s1  }
0xc: {  	s5 =	sshrl.u32 s5, $0x2;
	s6 =	sadd.s32 s6, s3  }
0xd: {  	s4 =	sadd.s32 s4, s31;
	s3 =	sadd.s32 s5, s2;
	s7 =	sadd.s32 $0x1E00, s6  }
0xe: {  	s5 =	simm.s32 $0x200;
	s6 =	simm.s32 $0x0;
	s11 =	sadd.s32 $0x4000, s3  }
0xf: {  	v0 =	vimm.f32 $1.000000000e+00;
	s10 =	sadd.s32 $0x8000, s3;
	s9 =	sadd.s32 $0xC000, s3;
	s8 =	sadd.s32 $0x10000, s3  }
.LBB2_2:
0x10: {  	p0 =	sne.s32 s5, $0xFE00;
	[tilespmem:s6+$0x2800] =	vst v0;
	s6 =	smov.u32 s5;
	s5 =	sadd.s32 $0x200, s5  }
.Ltmp1:
0x11: {  	(pc) =	sbr.rel @p0 .LBB2_2-.Ltmp1, $2  }
0x12: {  	_ =	sdelay $0x2  }
0x13: {  	s6 =	sshra.s32 s6, $0x2  }
0x14: {  	[tilespmem:s6+$0x2800] =	vst v0;
	s5 =	simm.s32 $0x2800;
	s6 =	simm.s32 $0x1  }
0x15: {  	[spmem:s3] =	stream.linear.scatter [tilespmem:s5], [sflag:$0x1], $0x4000, $0x38;
	[tilespmem:$0x9000] =	vst v63  }
0x16: {  	_ =	swait.ge [sflag:s6], $0x4000  }
0x17: {  	[sflag:s6] =	ssyncset.done $0x0  }
0x18: {  	[sflag:s6] =	ssyncadd.s32 $0xFFFFC000  }
0x19: {  	[spmem:s11] =	stream.linear.scatter [tilespmem:s5], [sflag:$0x1], $0x4000, $0x38;
	[tilespmem:$0x9000] =	vst v63  }
0x1a: {  	_ =	swait.ge [sflag:s6], $0x4000  }
0x1b: {  	[sflag:s6] =	ssyncset.done $0x0  }
0x1c: {  	[sflag:s6] =	ssyncadd.s32 $0xFFFFC000  }
0x1d: {  	[spmem:s10] =	stream.linear.scatter [tilespmem:s5], [sflag:$0x1], $0x4000, $0x38;
	[tilespmem:$0x9000] =	vst v63  }
0x1e: {  	_ =	swait.ge [sflag:s6], $0x4000  }
0x1f: {  	[sflag:s6] =	ssyncset.done $0x0  }
0x20: {  	[sflag:s6] =	ssyncadd.s32 $0xFFFFC000  }
0x21: {  	[spmem:s9] =	stream.linear.scatter [tilespmem:s5], [sflag:$0x1], $0x4000, $0x38;
	[tilespmem:$0x9000] =	vst v63  }
0x22: {  	_ =	swait.ge [sflag:s6], $0x4000  }
0x23: {  	[sflag:s6] =	ssyncset.done $0x0  }
0x24: {  	[sflag:s6] =	ssyncadd.s32 $0xFFFFC000  }
0x25: {  	[spmem:s8] =	stream.linear.scatter [tilespmem:s5], [sflag:$0x1], $0x4000, $0x38;
	[tilespmem:$0x9000] =	vst v63  }
0x26: {  	_ =	swait.ge [sflag:s6], $0x4000  }
0x27: {  	[sflag:s6] =	ssyncset.done $0x0  }
0x28: {  	s30 =	simm.s32 $0x0;
	[sflag:s6] =	ssyncadd.s32 $0xFFFFC000  }
0x29: {  	[tilespmem:s30], [sflag:$0x1] =	stream.linear.gather [hbm4b:s7+s30], $0x2800, $0x38;
	[tilespmem:$0x9000] =	vst v63  }
0x2a: {  	_ =	swait.ge [sflag:s6], $0x2800  }
0x2b: {  	[sflag:s6] =	ssyncset.done $0x0  }
0x2c: {  	[sflag:s6] =	ssyncadd.s32 $0xFFFFD800  }
0x2d: {  	s31 =	simm.s32 $0x0;
	s7 =	simm.s32 $0x80;
	[bflag:$0x0] =	sbarrier.arrive $0xFFFF  }
0x2e: {  	[spmem:s2] =	stream.indirect.scatter.add.f32 [tilespmem:s5], [sflag:$0x1], $0x10, s31, s7, $0xb8;
	[tilespmem:$0x9000] =	vst v63  }
0x2f: {  	_ =	swait.ge [sflag:s6], $0x800  }
0x30: {  	s8 =	simm.s32 $0x200;
	[sflag:s6] =	ssyncset.done $0x0  }
.LBB2_4:
0x31: {  	s9 =	sshra.s32 s8, $0x2;
	[sflag:s6] =	ssyncadd.s32 $0xFFFFF800;
	p0 =	sne.s32 s8, $0x4E00  }
0x32: {  	[spmem:s2] =	stream.indirect.scatter.add.f32 [tilespmem:s5], [sflag:$0x1], $0x10, s9, s7, $0xb8;
	[tilespmem:$0x9000] =	vst v63  }
.Ltmp2:
0x33: {  	_ = 	snop;
	(pc) =	sbr.rel @p0 .LBB2_4-.Ltmp2, $4  }
0x34: {  	_ = 	snop  }
0x35: {  	s8 =	sadd.s32 $0x200, s8  }
0x36: {  	_ =	swait.ge [sflag:s6], $0x800  }
0x37: {  	[sflag:s6] =	ssyncset.done $0x0  }
0x38: {  	[sflag:s6] =	ssyncadd.s32 $0xFFFFF800  }
0x39: {  	s5 =	simm.s32 $0x80;
	s6 =	simm.s32 $0x2800;
	s7 =	simm.s32 $0x1400  }
0x3a: {  	[spmem:s2] =	stream.indirect.scatter.add.f32 [tilespmem:s6], [sflag:$0x1], $0x10, s7, s5, $0xb8;
	[tilespmem:$0x9000] =	vst v63  }
0x3b: {  	s7 =	simm.s32 $0x1  }
0x3c: {  	s8 =	simm.s32 $0x200;
	_ =	swait.ge [sflag:s7], $0x800  }
.LBB2_6:
0x3d: {  	s9 =	sshra.s32 s8, $0x2;
	[sflag:s7] =	ssyncset.done $0x0;
	p0 =	sne.s32 s8, $0x4E00  }
.Ltmp3:
0x3e: {  	s9 =	sadd.s32 $0x1400, s9;
	[sflag:s7] =	ssyncadd.s32 $0xFFFFF800;
	(pc) =	sbr.rel @p0 .LBB2_6-.Ltmp3, $3  }
0x3f: {  	[spmem:s2] =	stream.indirect.scatter.add.f32 [tilespmem:s6], [sflag:$0x1], $0x10, s9, s5, $0xb8;
	[tilespmem:$0x9000] =	vst v63  }
0x40: {  	s8 =	sadd.s32 $0x200, s8;
	_ =	sdelay $0x1  }
0x41: {  	_ =	swait.ge [sflag:s7], $0x800  }
0x42: {  	[sflag:s7] =	ssyncset.done $0x0  }
0x43: {  	s2 =	sshll.u32 s1, $0x6;
	s3 =	sshrl.u32 s3, $0x3;
	[sflag:s7] =	ssyncadd.s32 $0xFFFFF800  }
0x44: {  	s31 =	simm.s32 $0x1;
	s2 =	sor.u32 $0x1C01, s2;
	[bflag:$0x0] =	sbarrier.arrive $0xFFFF  }
0x45: {  	[hbm:s4], [sflag:s2] =	dma.local [spmem:s3], $0x2800  }
0x46: {  	_ =	swait.ge [sflag:s31], $0x2800  }
0x47: {  	[sflag:s31] =	ssyncset.done $0x0  }
0x48: {  	[sflag:s31] =	ssyncadd.s32 $0xFFFFD800  }
.LBB2_8:
0x49: {  	_ =	sfence.sel $0x180000  }
0x4a: {  	[bflag:$0x0] =	sbarrier.arrive $0xFFFF  }
0x4b: {  	p0 =	sne.s32 s1, $0x0;
	_ =	strace $0x90000047  }
0x4c: {  	s0 =	sadd.s32 @!p0 $0x100000, s0;
	[bflag:$0x2] =	sbarrier.arrive $0xFFFF  }
0x4d: {  	[sflag:s0] =	ssyncadd.tile.s32 @!p0 $0x1;
	_ =	shalt  }
.Lfunc_end2:
_tile_overlayer_lowered:
.L_overlay_start_2:
0x4e: {  	(tag) =	ssettag $0x2  }
0x4f: {  	s0 =	rddreg [dreg:$0x0];
	s2 =	stileid.u32  }
0x50: {  	s1 =	rddreg [dreg:$0x1];
	p0 =	sne.s32 s2, $0x0  }
0x51: {  	s3 =	rddreg [dreg:$0x2];
	[bflag:$0x3] =	sbarrier.arrive $0xFFFF;
	s2 =	simm.s32 @!p0 $0x1C01  }
0x52: {  	[timem:s3], [sflag:s2] =	dma.local @!p0 [hbm:s0], s1  }
0x53: {  	s0 =	simm.s32 @!p0 $0x1  }
0x54: {  	_ =	swait.ge @!p0 [sflag:s0], s1  }
0x55: {  	s1 =	ssub.s32 @!p0 $0x0, s1;
	[sflag:s0] =	ssyncset.done @!p0 $0x0  }
0x56: {  	[sflag:s0] =	ssyncadd.s32 @!p0 s1  }
0x57: {  	[bflag:$0x3] =	sbarrier.arrive $0xFFFF  }
0x58: {  	_ =	shalt  }

</sc_bundles>
